<compile_context>
chip_gen: v7x
topology: tpu7x:2x2x1
jax: 0.10.2.dev20260603
libtpu: 0.0.44.dev20260713+nightly
codegen_flags: <defaults>
</compile_context>

<pallas_src>
import functools
import math

import jax
import jax.numpy as jnp
import numpy as np
from jax import lax
from jax.experimental import pallas as pl
from jax.experimental.pallas import tpu as pltpu
from jax.experimental.pallas import tpu_sc as plsc

N = 512
NIMG = 32
NBINS = 368
NCORES = 2
NSUB = 16
IMGS_PER_CORE = NIMG // NCORES
HROWS = 264
NPIX = HROWS * N
SLAB = NPIX // NSUB
GROUPS = SLAB // 16


def _build_constants():
    eye = np.eye(N)
    v = np.concatenate([eye[:, ::2], eye[:, 1::2][:, ::-1]], axis=1)
    Vc = np.fft.fft(v, axis=1)
    kk = np.arange(N) * (np.pi / (2.0 * N))
    D = (2.0 * (Vc.real * np.cos(kk) - Vc.imag * np.sin(kk))).T
    W = np.exp(-2j * np.pi * np.outer(np.arange(N), np.arange(N)) / N)
    A = W @ D

    ah = np.zeros((HROWS, N), np.complex128)
    ah[: N // 2 + 1] = A[: N // 2 + 1]
    k2 = ah.real.astype(np.float32)
    k3 = ah.imag.astype(np.float32)
    art = A.real.T[:, : N // 2].astype(np.float32)
    ait = A.imag.T[:, : N // 2].copy()
    ait[:, 0] = A[N // 2, :].real
    ait = ait.astype(np.float32)

    f = np.arange(N)
    f = np.where(f < N // 2, f, f - N).astype(np.float64)
    fu = f[: N // 2 + 1]
    colf = np.concatenate([np.arange(N // 2 + 1), np.arange(1, N // 2)])
    radh = np.full((HROWS, N), NBINS - 1, np.int32)
    radh[: N // 2 + 1] = np.sqrt(
        fu[:, None] ** 2 + colf[None, :].astype(np.float64) ** 2
    ).astype(np.int32)
    rad = np.sqrt(f[None, :] ** 2 + f[:, None] ** 2).astype(np.int32)
    nr = np.bincount(rad.ravel(), minlength=NBINS).astype(np.float32)
    return k2, k3, art, ait, radh.ravel(), nr


_K2, _K3, _ART, _AIT, _RAD, _NR = _build_constants()


def _mag_body(x_ref, arth_ref, artl_ref, aith_ref, aitl_ref,
              k2h_ref, k2l_ref, k3h_ref, k3l_ref, out_ref):
    g = (0.2989 * x_ref[0, 0] + 0.587 * x_ref[0, 1] + 0.114 * x_ref[0, 2])
    dot = functools.partial(
        lax.dot_general,
        dimension_numbers=(((1,), (0,)), ((), ())),
        precision=jax.lax.Precision.HIGHEST,
        preferred_element_type=jnp.float32,
    )
    yr = dot(g, arth_ref[...]) + dot(g, artl_ref[...])
    yi = dot(g, aith_ref[...]) + dot(g, aitl_ref[...])
    c0 = lax.broadcasted_iota(jnp.int32, (N, N // 2), 1) == 0
    yi_l = jnp.where(c0, 0.0, yi)
    nyq = yi[:, 0:1]

    U = dot(k2h_ref[...], yr) + dot(k2l_ref[...], yr)
    T = dot(k3h_ref[...], yr) + dot(k3l_ref[...], yr)
    S = dot(k2h_ref[...], yi_l) + dot(k2l_ref[...], yi_l)
    V = dot(k3h_ref[...], yi_l) + dot(k3l_ref[...], yi_l)
    nyq_row = lax.transpose(nyq, (1, 0))
    fr = jnp.sum((k2h_ref[...] + k2l_ref[...]) * nyq_row, axis=1,
                 keepdims=True)
    fi = jnp.sum((k3h_ref[...] + k3l_ref[...]) * nyq_row, axis=1,
                 keepdims=True)

    c0h = lax.broadcasted_iota(jnp.int32, (HROWS, N // 2), 1) == 0

    def lmag(re, im):
        re = re + 1e-8
        im = im + 1e-8
        return jnp.log(jnp.sqrt(re * re + im * im + 1e-10) + 1e-10)

    mag_l = lmag(U - V, S + T)
    mag_g = lmag(jnp.where(c0h, fr, U + V), jnp.where(c0h, fi, S - T))
    row = lax.broadcasted_iota(jnp.int32, (HROWS, N // 2), 0)
    w = jnp.where(row >= N // 2 + 1, 0.0,
                  jnp.where((row == 0) | (row == N // 2), 1.0, 2.0))
    out_ref[0, :, : N // 2] = w * mag_l
    out_ref[0, :, N // 2:] = w * mag_g


def _split_hi_lo(m):
    hi = m.astype(jnp.bfloat16).astype(jnp.float32)
    return hi, m - hi


def _mag_stage(x, art, ait, k2, k3):
    mats = []
    specs = []
    stage1_spec = pl.BlockSpec((N, N // 2), lambda i: (0, 0))
    half_spec = pl.BlockSpec((HROWS, N), lambda i: (0, 0))
    for m in (art, ait):
        mats.extend(_split_hi_lo(m))
        specs.extend([stage1_spec, stage1_spec])
    for m in (k2, k3):
        mats.extend(_split_hi_lo(m))
        specs.extend([half_spec, half_spec])
    nimg = x.shape[0]
    return pl.pallas_call(
        _mag_body,
        grid=(nimg,),
        in_specs=[pl.BlockSpec((1, 3, N, N), lambda i: (i, 0, 0, 0))] + specs,
        out_specs=pl.BlockSpec((1, HROWS, N), lambda i: (i, 0, 0)),
        out_shape=jax.ShapeDtypeStruct((nimg, HROWS, N), jnp.float32),
    )(x, *mats)


@functools.cache
def _hist_kernel_fn(n_img):
    ipc = n_img // NCORES
    mesh = plsc.VectorSubcoreMesh(core_axis_name="c", subcore_axis_name="s")
    return pl.kernel(
        functools.partial(_hist_body, ipc),
        mesh=mesh,
        out_type=jax.ShapeDtypeStruct((n_img, 16), jnp.float32),
        compiler_params=pltpu.CompilerParams(needs_layout_passes=False),
        scratch_types=[
            pltpu.VMEM((SLAB,), jnp.int32),
            pltpu.VMEM((SLAB,), jnp.float32),
            pltpu.VMEM((ipc * NBINS,), jnp.float32),
            pltpu.VMEM((NBINS,), jnp.float32),
            pltpu.VMEM((NBINS,), jnp.float32),
            pltpu.VMEM((16,), jnp.float32),
            pltpu.VMEM((NBINS,), jnp.float32),
            pltpu.VMEM((NBINS,), jnp.float32),
            pltpu.VMEM((16,), jnp.float32),
            pltpu.VMEM_SHARED((NSUB * ipc * NBINS,), jnp.float32),
        ],
    )


def _hist_body(ipc, mag_hbm, rad_hbm, nr_hbm, w_hbm, blin_hbm, out_hbm,
               idx_v, vals_v, bins_v, nr_v, w_v, blin_v,
               prof_v, tmp_v, orow_v, shared):
    c = lax.axis_index("c")
    s = lax.axis_index("s")
    simg = s % ipc

    pltpu.sync_copy(rad_hbm.at[pl.ds(s * SLAB, SLAB)], idx_v)
    pltpu.sync_copy(nr_hbm, nr_v)
    pltpu.sync_copy(w_hbm, w_v)
    pltpu.sync_copy(blin_hbm, blin_v)

    zero16 = jnp.zeros((16,), jnp.float32)

    def _zero_grp(j, _):
        bins_v[pl.ds(j * 16, 16)] = zero16
        return 0

    lax.fori_loop(0, ipc * NBINS // 16, _zero_grp, 0)

    def _img(i, _):
        pltpu.sync_copy(
            mag_hbm.at[c * ipc + i, pl.ds(s * SLAB, SLAB)], vals_v)
        base = i * NBINS

        def _grp(j, _):
            v = vals_v[pl.ds(j * 16, 16)]
            ix = idx_v[pl.ds(j * 16, 16)] + base
            plsc.addupdate_scatter(bins_v, [ix], v)
            return 0

        return lax.fori_loop(0, GROUPS, _grp, 0)

    lax.fori_loop(0, ipc, _img, 0)

    pltpu.sync_copy(bins_v, shared.at[pl.ds(s * ipc * NBINS, ipc * NBINS)])
    plsc.subcore_barrier()

    def _zero_prof(j, _):
        prof_v[pl.ds(j * 16, 16)] = zero16
        return 0

    lax.fori_loop(0, NBINS // 16, _zero_prof, 0)

    def _red(w, _):
        pltpu.sync_copy(
            shared.at[pl.ds(w * (ipc * NBINS) + simg * NBINS, NBINS)],
            tmp_v)

        def _acc(g, _):
            prof_v[pl.ds(g * 16, 16)] = (
                prof_v[pl.ds(g * 16, 16)] + tmp_v[pl.ds(g * 16, 16)])
            return 0

        return lax.fori_loop(0, NBINS // 16, _acc, 0)

    lax.fori_loop(0, NSUB, _red, 0)

    big = jnp.float32(3e38)
    lanes = lax.iota(jnp.int32, 16)

    def _minmax(g, carry):
        mn_a, mx_a = carry
        p = prof_v[pl.ds(g * 16, 16)] / (nr_v[pl.ds(g * 16, 16)] + 1e-10)
        gi = lanes + g * 16
        m = (gi >= 1) & (gi <= 360)
        mn_a = jnp.minimum(mn_a, jnp.where(m, p, big))
        mx_a = jnp.maximum(mx_a, jnp.where(m, p, -big))
        return mn_a, mx_a

    mn_a, mx_a = lax.fori_loop(
        0, NBINS // 16, _minmax,
        (jnp.full((16,), big, jnp.float32), jnp.full((16,), -big, jnp.float32)))
    mn = jnp.min(mn_a)
    mx = jnp.max(mx_a)

    def _dot(g, acc):
        p = prof_v[pl.ds(g * 16, 16)] / (nr_v[pl.ds(g * 16, 16)] + 1e-10)
        q = (p - mn) / (mx - mn)
        q = jnp.where(q != q, 0.0, q)
        return acc + q * w_v[pl.ds(g * 16, 16)]

    acc = lax.fori_loop(0, NBINS // 16, _dot, zero16)
    total = jnp.sum(acc)
    orow_v[...] = jnp.where(lanes == 0, total + blin_v[...], 0.0)
    pltpu.sync_copy(orow_v, out_hbm.at[c * ipc + simg])


def kernel(input, Wlin, blin):
    mats = (jnp.asarray(_ART), jnp.asarray(_AIT),
            jnp.asarray(_K2), jnp.asarray(_K3))
    rad = jnp.asarray(_RAD)
    nr = jnp.asarray(_NR)
    wpad = jnp.zeros((NBINS,), jnp.float32).at[180:361].set(Wlin[0])
    blin16 = jnp.zeros((16,), jnp.float32).at[0].set(blin[0])

    mag = _mag_stage(input, *mats)
    out = _hist_kernel_fn(NIMG)(mag.reshape(NIMG, NPIX), rad, nr, wpad,
                                blin16)
    return out[:, :1]

# --- scband reference (transcript-rebuilt; emitter-appended) ---
"""Pipeline reference for scband-spectral-discriminator-893353198109 (READ-ONLY COPY).

The authoritative reference and input builder live on the scoring server;
editing this copy changes nothing except your own understanding.
"""

import jax, jax.numpy as jnp
import numpy as np
import math

HEIGHT = 512
B = 32
THRESH = int(HEIGHT / (2 * math.sqrt(2)))

def _radius_info(H, W):
    y, x = np.indices([H, W])
    radius = np.sqrt((x - H / 2) ** 2 + (y - W / 2) ** 2)
    radius = radius.astype(int).ravel()
    nr = np.bincount(radius)
    return radius, nr

_RADIUS_NP, _NR_NP = _radius_info(HEIGHT, HEIGHT)
_L = _NR_NP.shape[0]


def dct1d(x):
    # faithful port of torch_dct.dct (type-II, norm=None)
    N = x.shape[-1]
    v = jnp.concatenate([x[..., ::2], x[..., 1::2][..., ::-1]], axis=-1)
    Vc = jnp.fft.fft(v, axis=-1)
    k = jnp.arange(N) * (np.pi / (2.0 * N))
    V = Vc.real * jnp.cos(k) - Vc.imag * jnp.sin(k)
    return 2.0 * V


def dct_2d(x):
    X = dct1d(x)
    X = jnp.swapaxes(dct1d(jnp.swapaxes(X, -1, -2)), -1, -2)
    return X


def rgb2gray(x):
    r, g, b = x[:, 0, :, :], x[:, 1, :, :], x[:, 2, :, :]
    return 0.2989 * r + 0.587 * g + 0.114 * b


def get_fft_feature(x):
    # torch code detaches x at the start -> stop_gradient
    x = jax.lax.stop_gradient(x)
    gray = rgb2gray(x)
    F = jnp.fft.fft2(gray, axes=(-2, -1))
    re = F.real + 1e-08
    im = F.imag + 1e-08
    mag = jnp.log(jnp.sqrt(re ** 2 + im ** 2 + 1e-10) + 1e-10)
    H, W = mag.shape[-2], mag.shape[-1]
    # quadrant swap (shift) == roll by H//2, W//2 for even dims
    mag = jnp.roll(mag, (H // 2, W // 2), axis=(-2, -1))
    radius = jnp.asarray(_RADIUS_NP)
    nr = jnp.asarray(_NR_NP, dtype=jnp.float32)

    def az(img):
        tbin = jax.ops.segment_sum(img.ravel(), radius, num_segments=_L)
        prof = tbin / (nr + 1e-10)
        return prof[1:-2]

    out = jax.vmap(az)(mag)
    mn = jnp.min(out, axis=1, keepdims=True)
    mx = jnp.max(out, axis=1, keepdims=True)
    out = (out - mn) / (mx - mn)
    return out


def setup_inputs(seed: int = 0) -> dict:
    key = jax.random.key(seed)
    k1, k2, k3 = jax.random.split(key, 3)
    x = jax.random.normal(k1, (B, 3, HEIGHT, HEIGHT), dtype=jnp.float32)
    Wlin = jax.random.normal(k2, (1, THRESH), dtype=jnp.float32) * (1.0 / math.sqrt(THRESH))
    blin = jnp.zeros((1,), dtype=jnp.float32)
    return {"input": x, "Wlin": Wlin, "blin": blin}


def reference(input, Wlin, blin):
    xd = dct_2d(input)
    feat = get_fft_feature(xd)
    feat = jnp.where(jnp.isnan(feat), 0.0, feat)
    return feat[:, -THRESH:] @ Wlin.T + blin

if __name__ == "__main__":
    import jax
    _d = setup_inputs()
    print(jax.jit(kernel)(*tuple(_d.values())))

</pallas_src>

<mosaic_0001>
#map = affine_map<(d0, d1) -> (0, 0)>
#map1 = affine_map<(d0, d1) -> (0)>
module attributes {stable_mosaic.version = 14 : i64} {
  func.func @_hist_body(%arg0: i32, %arg1: i32, %arg2: memref<32x135168xf32, #tpu.memory_space<hbm>>, %arg3: memref<135168xi32, #tpu.memory_space<hbm>>, %arg4: memref<368xf32, #tpu.memory_space<hbm>>, %arg5: memref<368xf32, #tpu.memory_space<hbm>>, %arg6: memref<16xf32, #tpu.memory_space<hbm>>, %arg7: memref<32x16xf32, #tpu.memory_space<hbm>>, %arg8: memref<8448xi32, #tpu.memory_space<vmem>>, %arg9: memref<8448xf32, #tpu.memory_space<vmem>>, %arg10: memref<5888xf32, #tpu.memory_space<vmem>>, %arg11: memref<368xf32, #tpu.memory_space<vmem>>, %arg12: memref<368xf32, #tpu.memory_space<vmem>>, %arg13: memref<16xf32, #tpu.memory_space<vmem>>, %arg14: memref<368xf32, #tpu.memory_space<vmem>>, %arg15: memref<368xf32, #tpu.memory_space<vmem>>, %arg16: memref<16xf32, #tpu.memory_space<vmem>>, %arg17: memref<94208xf32, #tpu.memory_space<vmem_shared>>) attributes {dimension_semantics = [#tpu.dimension_semantics<core_parallel>, #tpu.dimension_semantics<subcore_parallel>], iteration_bounds = array<i64: 2, 16>, scalar_prefetch = 0 : i64, scratch_operands = 10 : i64, tpu.core_type = #tpu.core_type<sc_vector_subcore>, window_params = [{transform_indices = #map}, {transform_indices = #map1}, {transform_indices = #map1}, {transform_indices = #map1}, {transform_indices = #map1}, {transform_indices = #map}]} {
    %jit3A = arith.constant 16 : i32
    %eq3A = arith.constant 0 : i32
    %eq3A_0 = arith.cmpi eq, %jit3A, %eq3A : i32
    %jit3A_1 = arith.constant 1 : i32
    %select_n3A = arith.select %eq3A_0, %jit3A_1, %jit3A : i32
    %rem3A = arith.remsi %arg1, %select_n3A : i32
    %ne3A = arith.constant 0 : i32
    %ne3A_2 = arith.cmpi ne, %rem3A, %ne3A : i32
    %lt3A = arith.constant 0 : i32
    %lt3A_3 = arith.cmpi slt, %rem3A, %lt3A : i32
    %lt3A_4 = arith.constant 0 : i32
    %lt3A_5 = arith.cmpi slt, %select_n3A, %lt3A_4 : i32
    %ne3A_6 = arith.xori %lt3A_3, %lt3A_5 : i1
    %and3A = arith.andi %ne3A_6, %ne3A_2 : i1
    %add3A = arith.addi %rem3A, %select_n3A : i32
    %select_n3A_7 = arith.select %and3A, %add3A, %rem3A : i32
    %mul3A = arith.constant 8448 : i32
    %mul3A_8 = arith.muli %arg1, %mul3A : i32
    "tpu.region"() ({
      %run_scoped3A = tpu.sem_alloc : memref<!tpu.dma_semaphore, #tpu.memory_space<semaphore_mem>>
      %dma_start3A = tpu.memref_slice %arg3[%mul3A_8] : memref<135168xi32, #tpu.memory_space<hbm>> -> memref<8448xi32, #tpu.memory_space<hbm>>
      %dma_start3A_81 = tpu.memref_slice %arg3[%mul3A_8] : memref<135168xi32, #tpu.memory_space<hbm>> -> memref<8448xi32, #tpu.memory_space<hbm>>
      tpu.enqueue_dma source(%dma_start3A_81 : memref<8448xi32, #tpu.memory_space<hbm>>) target(%arg8 : memref<8448xi32, #tpu.memory_space<vmem>>) target_semaphore(%run_scoped3A : memref<!tpu.dma_semaphore, #tpu.memory_space<semaphore_mem>>)
      %dma_wait3A = tpu.memref_slice %arg3[%mul3A_8] : memref<135168xi32, #tpu.memory_space<hbm>> -> memref<8448xi32, #tpu.memory_space<hbm>>
      %dma_wait3A_82 = tpu.memref_slice %arg3[%mul3A_8] : memref<135168xi32, #tpu.memory_space<hbm>> -> memref<8448xi32, #tpu.memory_space<hbm>>
      tpu.wait_dma2 semaphore(%run_scoped3A : memref<!tpu.dma_semaphore, #tpu.memory_space<semaphore_mem>>) src(%dma_wait3A_82 : memref<8448xi32, #tpu.memory_space<hbm>>) dst(%arg8 : memref<8448xi32, #tpu.memory_space<vmem>>)
      tpu.yield
    }) : () -> ()
    "tpu.region"() ({
      %run_scoped3A = tpu.sem_alloc : memref<!tpu.dma_semaphore, #tpu.memory_space<semaphore_mem>>
      tpu.enqueue_dma source(%arg4 : memref<368xf32, #tpu.memory_space<hbm>>) target(%arg11 : memref<368xf32, #tpu.memory_space<vmem>>) target_semaphore(%run_scoped3A : memref<!tpu.dma_semaphore, #tpu.memory_space<semaphore_mem>>)
      tpu.wait_dma2 semaphore(%run_scoped3A : memref<!tpu.dma_semaphore, #tpu.memory_space<semaphore_mem>>) src(%arg4 : memref<368xf32, #tpu.memory_space<hbm>>) dst(%arg11 : memref<368xf32, #tpu.memory_space<vmem>>)
      tpu.yield
    }) : () -> ()
    "tpu.region"() ({
      %run_scoped3A = tpu.sem_alloc : memref<!tpu.dma_semaphore, #tpu.memory_space<semaphore_mem>>
      tpu.enqueue_dma source(%arg5 : memref<368xf32, #tpu.memory_space<hbm>>) target(%arg12 : memref<368xf32, #tpu.memory_space<vmem>>) target_semaphore(%run_scoped3A : memref<!tpu.dma_semaphore, #tpu.memory_space<semaphore_mem>>)
      tpu.wait_dma2 semaphore(%run_scoped3A : memref<!tpu.dma_semaphore, #tpu.memory_space<semaphore_mem>>) src(%arg5 : memref<368xf32, #tpu.memory_space<hbm>>) dst(%arg12 : memref<368xf32, #tpu.memory_space<vmem>>)
      tpu.yield
    }) : () -> ()
    "tpu.region"() ({
      %run_scoped3A = tpu.sem_alloc : memref<!tpu.dma_semaphore, #tpu.memory_space<semaphore_mem>>
      tpu.enqueue_dma source(%arg6 : memref<16xf32, #tpu.memory_space<hbm>>) target(%arg13 : memref<16xf32, #tpu.memory_space<vmem>>) target_semaphore(%run_scoped3A : memref<!tpu.dma_semaphore, #tpu.memory_space<semaphore_mem>>)
      tpu.wait_dma2 semaphore(%run_scoped3A : memref<!tpu.dma_semaphore, #tpu.memory_space<semaphore_mem>>) src(%arg6 : memref<16xf32, #tpu.memory_space<hbm>>) dst(%arg13 : memref<16xf32, #tpu.memory_space<vmem>>)
      tpu.yield
    }) : () -> ()
    %broadcast_in_dim3A = arith.constant 0.000000e+00 : f32
    %broadcast_in_dim3A_9 = vector.broadcast %broadcast_in_dim3A : f32 to vector<16xf32>
    %scan3A = arith.constant 0 : i32
    %scan3A_10 = arith.constant 0 : i32
    %scan3A_11 = arith.constant 368 : i32
    %scan3A_12 = arith.addi %scan3A_10, %scan3A_11 : i32
    %scan3A_13 = arith.constant 1 : i32
    %scan3A_14 = scf.for %scan3A_81 = %scan3A_10 to %scan3A_12 step %scan3A_13 iter_args(%scan3A_82 = %scan3A) -> (i32)  : i32 {
      %mul3A_83 = arith.constant 16 : i32
      %mul3A_84 = arith.muli %scan3A_81, %mul3A_83 : i32
      %swap3A_85 = arith.index_cast %mul3A_84 : i32 to index
      %swap3A_86 = tpu.vector_load %arg10[%swap3A_85] {strides = array<i32>} : memref<5888xf32, #tpu.memory_space<vmem>>, vector<16xf32>,
      tpu.vector_store %arg10[%swap3A_85], %broadcast_in_dim3A_9 {strides = array<i32>} : memref<5888xf32, #tpu.memory_space<vmem>>, vector<16xf32>,
      %scan3A_87 = arith.constant 0 : i32
      scf.yield %scan3A_87 : i32
    }
    %scan3A_15 = arith.constant 368 : i32
    %scan3A_16 = arith.constant 0 : i32
    %scan3A_17 = arith.constant 0 : i32
    %scan3A_18 = arith.constant 16 : i32
    %scan3A_19 = arith.addi %scan3A_17, %scan3A_18 : i32
    %scan3A_20 = arith.constant 1 : i32
    %scan3A_21 = scf.for %scan3A_81 = %scan3A_17 to %scan3A_19 step %scan3A_20 iter_args(%scan3A_82 = %scan3A_16) -> (i32)  : i32 {
      %mul3A_83 = arith.constant 16 : i32
      %mul3A_84 = arith.muli %arg0, %mul3A_83 : i32
      %add3A_85 = arith.addi %mul3A_84, %scan3A_81 : i32
      %mul3A_86 = arith.constant 8448 : i32
      %mul3A_87 = arith.muli %arg1, %mul3A_86 : i32
      "tpu.region"() ({
        %run_scoped3A = tpu.sem_alloc : memref<!tpu.dma_semaphore, #tpu.memory_space<semaphore_mem>>
        %dma_start3A = tpu.memref_slice %arg2[%add3A_85, %mul3A_87] : memref<32x135168xf32, #tpu.memory_space<hbm>> -> memref<1x8448xf32, #tpu.memory_space<hbm>>
        %dma_start3A_97 = tpu.memref_squeeze %dma_start3A : memref<1x8448xf32, #tpu.memory_space<hbm>> -> memref<8448xf32, #tpu.memory_space<hbm>>
        %dma_start3A_98 = tpu.memref_slice %arg2[%add3A_85, %mul3A_87] : memref<32x135168xf32, #tpu.memory_space<hbm>> -> memref<1x8448xf32, #tpu.memory_space<hbm>>
        %dma_start3A_99 = tpu.memref_squeeze %dma_start3A_98 : memref<1x8448xf32, #tpu.memory_space<hbm>> -> memref<8448xf32, #tpu.memory_space<hbm>>
        tpu.enqueue_dma source(%dma_start3A_99 : memref<8448xf32, #tpu.memory_space<hbm>>) target(%arg9 : memref<8448xf32, #tpu.memory_space<vmem>>) target_semaphore(%run_scoped3A : memref<!tpu.dma_semaphore, #tpu.memory_space<semaphore_mem>>)
        %dma_wait3A = tpu.memref_slice %arg2[%add3A_85, %mul3A_87] : memref<32x135168xf32, #tpu.memory_space<hbm>> -> memref<1x8448xf32, #tpu.memory_space<hbm>>
        %dma_wait3A_100 = tpu.memref_squeeze %dma_wait3A : memref<1x8448xf32, #tpu.memory_space<hbm>> -> memref<8448xf32, #tpu.memory_space<hbm>>
        %dma_wait3A_101 = tpu.memref_slice %arg2[%add3A_85, %mul3A_87] : memref<32x135168xf32, #tpu.memory_space<hbm>> -> memref<1x8448xf32, #tpu.memory_space<hbm>>
        %dma_wait3A_102 = tpu.memref_squeeze %dma_wait3A_101 : memref<1x8448xf32, #tpu.memory_space<hbm>> -> memref<8448xf32, #tpu.memory_space<hbm>>
        tpu.wait_dma2 semaphore(%run_scoped3A : memref<!tpu.dma_semaphore, #tpu.memory_space<semaphore_mem>>) src(%dma_wait3A_102 : memref<8448xf32, #tpu.memory_space<hbm>>) dst(%arg9 : memref<8448xf32, #tpu.memory_space<vmem>>)
        tpu.yield
      }) : () -> ()
      %mul3A_88 = arith.constant 368 : i32
      %mul3A_89 = arith.muli %scan3A_81, %mul3A_88 : i32
      %scan3A_90 = arith.constant 0 : i32
      %scan3A_91 = arith.constant 0 : i32
      %scan3A_92 = arith.constant 528 : i32
      %scan3A_93 = arith.addi %scan3A_91, %scan3A_92 : i32
      %scan3A_94 = arith.constant 1 : i32
      %scan3A_95 = scf.for %scan3A_97 = %scan3A_91 to %scan3A_93 step %scan3A_94 iter_args(%scan3A_98 = %scan3A_90) -> (i32)  : i32 {
        %mul3A_99 = arith.constant 16 : i32
        %mul3A_100 = arith.muli %scan3A_97, %mul3A_99 : i32
        %get3A_101 = arith.index_cast %mul3A_100 : i32 to index
        %get3A_102 = tpu.vector_load %arg9[%get3A_101] {strides = array<i32>} : memref<8448xf32, #tpu.memory_space<vmem>>, vector<16xf32>,
        %mul3A_103 = arith.constant 16 : i32
        %mul3A_104 = arith.muli %scan3A_97, %mul3A_103 : i32
        %get3A_105 = arith.index_cast %mul3A_104 : i32 to index
        %get3A_106 = tpu.vector_load %arg8[%get3A_105] {strides = array<i32>} : memref<8448xi32, #tpu.memory_space<vmem>>, vector<16xi32>,
        %add3A_107 = vector.broadcast %mul3A_89 : i32 to vector<16xi32>
        %add3A_108 = arith.addi %get3A_106, %add3A_107 : vector<16xi32>
        tpu.vector_store_idx %arg10[%add3A_108], %get3A_102 {add = true} : memref<5888xf32, #tpu.memory_space<vmem>>[vector<16xi32>], vector<16xf32>,
        %scan3A_109 = arith.constant 0 : i32
        scf.yield %scan3A_109 : i32
      }
      %scan3A_96 = arith.constant 528 : i32
      scf.yield %scan3A_95 : i32
    }
    %scan3A_22 = arith.constant 16 : i32
    %mul3A_23 = arith.constant 16 : i32
    %mul3A_24 = arith.muli %arg1, %mul3A_23 : i32
    %mul3A_25 = arith.constant 368 : i32
    %mul3A_26 = arith.muli %mul3A_24, %mul3A_25 : i32
    "tpu.region"() ({
      %run_scoped3A = tpu.sem_alloc : memref<!tpu.dma_semaphore, #tpu.memory_space<semaphore_mem>>
      %dma_start3A = tpu.memref_slice %arg17[%mul3A_26] : memref<94208xf32, #tpu.memory_space<vmem_shared>> -> memref<5888xf32, #tpu.memory_space<vmem_shared>>
      %dma_start3A_81 = tpu.memref_slice %arg17[%mul3A_26] : memref<94208xf32, #tpu.memory_space<vmem_shared>> -> memref<5888xf32, #tpu.memory_space<vmem_shared>>
      tpu.enqueue_dma source(%arg10 : memref<5888xf32, #tpu.memory_space<vmem>>) target(%dma_start3A_81 : memref<5888xf32, #tpu.memory_space<vmem_shared>>) target_semaphore(%run_scoped3A : memref<!tpu.dma_semaphore, #tpu.memory_space<semaphore_mem>>)
      %dma_wait3A = tpu.memref_slice %arg17[%mul3A_26] : memref<94208xf32, #tpu.memory_space<vmem_shared>> -> memref<5888xf32, #tpu.memory_space<vmem_shared>>
      %dma_wait3A_82 = tpu.memref_slice %arg17[%mul3A_26] : memref<94208xf32, #tpu.memory_space<vmem_shared>> -> memref<5888xf32, #tpu.memory_space<vmem_shared>>
      tpu.wait_dma2 semaphore(%run_scoped3A : memref<!tpu.dma_semaphore, #tpu.memory_space<semaphore_mem>>) src(%arg10 : memref<5888xf32, #tpu.memory_space<vmem>>) dst(%dma_wait3A_82 : memref<5888xf32, #tpu.memory_space<vmem_shared>>)
      tpu.yield
    }) : () -> ()
    %barrier3A = arith.constant 0 : index
    tpu.barrier barrier_id(%barrier3A)
    %scan3A_27 = arith.constant 0 : i32
    %scan3A_28 = arith.constant 0 : i32
    %scan3A_29 = arith.constant 23 : i32
    %scan3A_30 = arith.addi %scan3A_28, %scan3A_29 : i32
    %scan3A_31 = arith.constant 1 : i32
    %scan3A_32 = scf.for %scan3A_81 = %scan3A_28 to %scan3A_30 step %scan3A_31 iter_args(%scan3A_82 = %scan3A_27) -> (i32)  : i32 {
      %mul3A_83 = arith.constant 16 : i32
      %mul3A_84 = arith.muli %scan3A_81, %mul3A_83 : i32
      %swap3A_85 = arith.index_cast %mul3A_84 : i32 to index
      %swap3A_86 = tpu.vector_load %arg14[%swap3A_85] {strides = array<i32>} : memref<368xf32, #tpu.memory_space<vmem>>, vector<16xf32>,
      tpu.vector_store %arg14[%swap3A_85], %broadcast_in_dim3A_9 {strides = array<i32>} : memref<368xf32, #tpu.memory_space<vmem>>, vector<16xf32>,
      %scan3A_87 = arith.constant 0 : i32
      scf.yield %scan3A_87 : i32
    }
    %scan3A_33 = arith.constant 23 : i32
    %scan3A_34 = arith.constant 0 : i32
    %scan3A_35 = arith.constant 0 : i32
    %scan3A_36 = arith.constant 16 : i32
    %scan3A_37 = arith.addi %scan3A_35, %scan3A_36 : i32
    %scan3A_38 = arith.constant 1 : i32
    %scan3A_39 = scf.for %scan3A_81 = %scan3A_35 to %scan3A_37 step %scan3A_38 iter_args(%scan3A_82 = %scan3A_34) -> (i32)  : i32 {
      %mul3A_83 = arith.constant 5888 : i32
      %mul3A_84 = arith.muli %scan3A_81, %mul3A_83 : i32
      %mul3A_85 = arith.constant 368 : i32
      %mul3A_86 = arith.muli %select_n3A_7, %mul3A_85 : i32
      %add3A_87 = arith.addi %mul3A_84, %mul3A_86 : i32
      "tpu.region"() ({
        %run_scoped3A = tpu.sem_alloc : memref<!tpu.dma_semaphore, #tpu.memory_space<semaphore_mem>>
        %dma_start3A = tpu.memref_slice %arg17[%add3A_87] : memref<94208xf32, #tpu.memory_space<vmem_shared>> -> memref<368xf32, #tpu.memory_space<vmem_shared>>
        %dma_start3A_95 = tpu.memref_slice %arg17[%add3A_87] : memref<94208xf32, #tpu.memory_space<vmem_shared>> -> memref<368xf32, #tpu.memory_space<vmem_shared>>
        tpu.enqueue_dma source(%dma_start3A_95 : memref<368xf32, #tpu.memory_space<vmem_shared>>) target(%arg15 : memref<368xf32, #tpu.memory_space<vmem>>) target_semaphore(%run_scoped3A : memref<!tpu.dma_semaphore, #tpu.memory_space<semaphore_mem>>)
        %dma_wait3A = tpu.memref_slice %arg17[%add3A_87] : memref<94208xf32, #tpu.memory_space<vmem_shared>> -> memref<368xf32, #tpu.memory_space<vmem_shared>>
        %dma_wait3A_96 = tpu.memref_slice %arg17[%add3A_87] : memref<94208xf32, #tpu.memory_space<vmem_shared>> -> memref<368xf32, #tpu.memory_space<vmem_shared>>
        tpu.wait_dma2 semaphore(%run_scoped3A : memref<!tpu.dma_semaphore, #tpu.memory_space<semaphore_mem>>) src(%dma_wait3A_96 : memref<368xf32, #tpu.memory_space<vmem_shared>>) dst(%arg15 : memref<368xf32, #tpu.memory_space<vmem>>)
        tpu.yield
      }) : () -> ()
      %scan3A_88 = arith.constant 0 : i32
      %scan3A_89 = arith.constant 0 : i32
      %scan3A_90 = arith.constant 23 : i32
      %scan3A_91 = arith.addi %scan3A_89, %scan3A_90 : i32
      %scan3A_92 = arith.constant 1 : i32
      %scan3A_93 = scf.for %scan3A_95 = %scan3A_89 to %scan3A_91 step %scan3A_92 iter_args(%scan3A_96 = %scan3A_88) -> (i32)  : i32 {
        %mul3A_97 = arith.constant 16 : i32
        %mul3A_98 = arith.muli %scan3A_95, %mul3A_97 : i32
        %get3A_99 = arith.index_cast %mul3A_98 : i32 to index
        %get3A_100 = tpu.vector_load %arg14[%get3A_99] {strides = array<i32>} : memref<368xf32, #tpu.memory_space<vmem>>, vector<16xf32>,
        %mul3A_101 = arith.constant 16 : i32
        %mul3A_102 = arith.muli %scan3A_95, %mul3A_101 : i32
        %get3A_103 = arith.index_cast %mul3A_102 : i32 to index
        %get3A_104 = tpu.vector_load %arg15[%get3A_103] {strides = array<i32>} : memref<368xf32, #tpu.memory_space<vmem>>, vector<16xf32>,
        %add3A_105 = arith.addf %get3A_100, %get3A_104 : vector<16xf32>
        %mul3A_106 = arith.constant 16 : i32
        %mul3A_107 = arith.muli %scan3A_95, %mul3A_106 : i32
        %swap3A_108 = arith.index_cast %mul3A_107 : i32 to index
        %swap3A_109 = tpu.vector_load %arg14[%swap3A_108] {strides = array<i32>} : memref<368xf32, #tpu.memory_space<vmem>>, vector<16xf32>,
        tpu.vector_store %arg14[%swap3A_108], %add3A_105 {strides = array<i32>} : memref<368xf32, #tpu.memory_space<vmem>>, vector<16xf32>,
        %scan3A_110 = arith.constant 0 : i32
        scf.yield %scan3A_110 : i32
      }
      %scan3A_94 = arith.constant 23 : i32
      scf.yield %scan3A_93 : i32
    }
    %scan3A_40 = arith.constant 16 : i32
    %iota3A = tpu.iota {dimensions = array<i32: 0>} : vector<16xi32>
    %broadcast_in_dim3A_41 = arith.constant 3.000000e+38 : f32
    %broadcast_in_dim3A_42 = vector.broadcast %broadcast_in_dim3A_41 : f32 to vector<16xf32>
    %neg3A = arith.constant 0.000000e+00 : f32
    %neg3A_43 = arith.constant 3.000000e+38 : f32
    %neg3A_44 = arith.subf %neg3A, %neg3A_43 : f32
    %broadcast_in_dim3A_45 = vector.broadcast %neg3A_44 : f32 to vector<16xf32>
    %scan3A_46 = arith.constant 3.000000e+38 : f32
    %scan3A_47 = arith.constant 0 : i32
    %scan3A_48 = arith.constant 23 : i32
    %scan3A_49 = arith.addi %scan3A_47, %scan3A_48 : i32
    %scan3A_50 = arith.constant 1 : i32
    %scan3A_51:2 = scf.for %scan3A_81 = %scan3A_47 to %scan3A_49 step %scan3A_50 iter_args(%scan3A_82 = %broadcast_in_dim3A_42, %scan3A_83 = %broadcast_in_dim3A_45) -> (vector<16xf32>, vector<16xf32>)  : i32 {
      %mul3A_84 = arith.constant 16 : i32
      %mul3A_85 = arith.muli %scan3A_81, %mul3A_84 : i32
      %get3A_86 = arith.index_cast %mul3A_85 : i32 to index
      %get3A_87 = tpu.vector_load %arg14[%get3A_86] {strides = array<i32>} : memref<368xf32, #tpu.memory_space<vmem>>, vector<16xf32>,
      %mul3A_88 = arith.constant 16 : i32
      %mul3A_89 = arith.muli %scan3A_81, %mul3A_88 : i32
      %get3A_90 = arith.index_cast %mul3A_89 : i32 to index
      %get3A_91 = tpu.vector_load %arg11[%get3A_90] {strides = array<i32>} : memref<368xf32, #tpu.memory_space<vmem>>, vector<16xf32>,
      %add3A_92 = arith.constant 1.000000e-10 : f32
      %add3A_93 = vector.broadcast %add3A_92 : f32 to vector<16xf32>
      %add3A_94 = arith.addf %get3A_91, %add3A_93 : vector<16xf32>
      %div3A = arith.divf %get3A_87, %add3A_94 : vector<16xf32>
      %mul3A_95 = arith.constant 16 : i32
      %mul3A_96 = arith.muli %scan3A_81, %mul3A_95 : i32
      %add3A_97 = vector.broadcast %mul3A_96 : i32 to vector<16xi32>
      %add3A_98 = arith.addi %iota3A, %add3A_97 : vector<16xi32>
      %ge3A = arith.constant 1 : i32
      %ge3A_99 = vector.broadcast %ge3A : i32 to vector<16xi32>
      %ge3A_100 = arith.cmpi sge, %add3A_98, %ge3A_99 : vector<16xi32>
      %le3A = arith.constant 360 : i32
      %le3A_101 = vector.broadcast %le3A : i32 to vector<16xi32>
      %le3A_102 = arith.cmpi sle, %add3A_98, %le3A_101 : vector<16xi32>
      %and3A_103 = arith.andi %ge3A_100, %le3A_102 : vector<16xi1>
      %broadcast_in_dim3A_104 = vector.broadcast %scan3A_46 : f32 to vector<16xf32>
      %select_n3A_105 = arith.select %and3A_103, %div3A, %broadcast_in_dim3A_104 : vector<16xi1>, vector<16xf32>
      %min3A = arith.minimumf %scan3A_82, %select_n3A_105 : vector<16xf32>
      %neg3A_106 = arith.constant 0.000000e+00 : f32
      %neg3A_107 = arith.subf %neg3A_106, %scan3A_46 : f32
      %broadcast_in_dim3A_108 = vector.broadcast %neg3A_107 : f32 to vector<16xf32>
      %select_n3A_109 = arith.select %and3A_103, %div3A, %broadcast_in_dim3A_108 : vector<16xi1>, vector<16xf32>
      %max3A = arith.maximumf %scan3A_83, %select_n3A_109 : vector<16xf32>
      scf.yield %min3A, %max3A : vector<16xf32>, vector<16xf32>
    }
    %scan3A_52 = arith.constant 23 : i32
    %reduce_min3A = arith.constant true
    %reduce_min3A_53 = vector.broadcast %reduce_min3A : i1 to vector<16xi1>
    %reduce_min3A_54 = tpu.scan <min>, %scan3A_51#0 masked %reduce_min3A_53 : vector<16xf32>, vector<16xi1> -> vector<16xf32>
    %reduce_min3A_55 = vector.extract %reduce_min3A_54[15] : f32 from vector<16xf32>
    %reduce_max3A = arith.constant true
    %reduce_max3A_56 = vector.broadcast %reduce_max3A : i1 to vector<16xi1>
    %reduce_max3A_57 = tpu.scan <max>, %scan3A_51#1 masked %reduce_max3A_56 : vector<16xf32>, vector<16xi1> -> vector<16xf32>
    %reduce_max3A_58 = vector.extract %reduce_max3A_57[15] : f32 from vector<16xf32>
    %scan3A_59 = arith.constant 0 : i32
    %scan3A_60 = arith.constant 23 : i32
    %scan3A_61 = arith.addi %scan3A_59, %scan3A_60 : i32
    %scan3A_62 = arith.constant 1 : i32
    %scan3A_63 = scf.for %scan3A_81 = %scan3A_59 to %scan3A_61 step %scan3A_62 iter_args(%scan3A_82 = %broadcast_in_dim3A_9) -> (vector<16xf32>)  : i32 {
      %mul3A_83 = arith.constant 16 : i32
      %mul3A_84 = arith.muli %scan3A_81, %mul3A_83 : i32
      %get3A_85 = arith.index_cast %mul3A_84 : i32 to index
      %get3A_86 = tpu.vector_load %arg14[%get3A_85] {strides = array<i32>} : memref<368xf32, #tpu.memory_space<vmem>>, vector<16xf32>,
      %mul3A_87 = arith.constant 16 : i32
      %mul3A_88 = arith.muli %scan3A_81, %mul3A_87 : i32
      %get3A_89 = arith.index_cast %mul3A_88 : i32 to index
      %get3A_90 = tpu.vector_load %arg11[%get3A_89] {strides = array<i32>} : memref<368xf32, #tpu.memory_space<vmem>>, vector<16xf32>,
      %add3A_91 = arith.constant 1.000000e-10 : f32
      %add3A_92 = vector.broadcast %add3A_91 : f32 to vector<16xf32>
      %add3A_93 = arith.addf %get3A_90, %add3A_92 : vector<16xf32>
      %div3A = arith.divf %get3A_86, %add3A_93 : vector<16xf32>
      %sub3A = vector.broadcast %reduce_min3A_55 : f32 to vector<16xf32>
      %sub3A_94 = arith.subf %div3A, %sub3A : vector<16xf32>
      %sub3A_95 = arith.subf %reduce_max3A_58, %reduce_min3A_55 : f32
      %div3A_96 = vector.broadcast %sub3A_95 : f32 to vector<16xf32>
      %div3A_97 = arith.divf %sub3A_94, %div3A_96 : vector<16xf32>
      %ne3A_98 = arith.cmpf one, %div3A_97, %div3A_97 : vector<16xf32>
      %jit3A_99 = arith.constant 0.000000e+00 : f32
      %broadcast_in_dim3A_100 = vector.broadcast %jit3A_99 : f32 to vector<16xf32>
      %select_n3A_101 = arith.select %ne3A_98, %broadcast_in_dim3A_100, %div3A_97 : vector<16xi1>, vector<16xf32>
      %mul3A_102 = arith.constant 16 : i32
      %mul3A_103 = arith.muli %scan3A_81, %mul3A_102 : i32
      %get3A_104 = arith.index_cast %mul3A_103 : i32 to index
      %get3A_105 = tpu.vector_load %arg12[%get3A_104] {strides = array<i32>} : memref<368xf32, #tpu.memory_space<vmem>>, vector<16xf32>,
      %mul3A_106 = arith.mulf %select_n3A_101, %get3A_105 : vector<16xf32>
      %add3A_107 = arith.addf %scan3A_82, %mul3A_106 : vector<16xf32>
      scf.yield %add3A_107 : vector<16xf32>
    }
    %scan3A_64 = arith.constant 23 : i32
    %reduce_sum3A = arith.constant true
    %reduce_sum3A_65 = vector.broadcast %reduce_sum3A : i1 to vector<16xi1>
    %reduce_sum3A_66 = tpu.scan <sum>, %scan3A_63 masked %reduce_sum3A_65 : vector<16xf32>, vector<16xi1> -> vector<16xf32>
    %reduce_sum3A_67 = vector.extract %reduce_sum3A_66[15] : f32 from vector<16xf32>
    %eq3A_68 = arith.constant 0 : i32
    %eq3A_69 = vector.broadcast %eq3A_68 : i32 to vector<16xi32>
    %eq3A_70 = arith.cmpi eq, %iota3A, %eq3A_69 : vector<16xi32>
    %get3A = arith.constant 0 : index
    %get3A_71 = tpu.vector_load %arg13[%get3A] {strides = array<i32>} : memref<16xf32, #tpu.memory_space<vmem>>, vector<16xf32>,
    %add3A_72 = vector.broadcast %reduce_sum3A_67 : f32 to vector<16xf32>
    %add3A_73 = arith.addf %add3A_72, %get3A_71 : vector<16xf32>
    %jit3A_74 = arith.constant 0.000000e+00 : f32
    %broadcast_in_dim3A_75 = vector.broadcast %jit3A_74 : f32 to vector<16xf32>
    %select_n3A_76 = arith.select %eq3A_70, %add3A_73, %broadcast_in_dim3A_75 : vector<16xi1>, vector<16xf32>
    %swap3A = arith.constant 0 : index
    %swap3A_77 = tpu.vector_load %arg16[%swap3A] {strides = array<i32>} : memref<16xf32, #tpu.memory_space<vmem>>, vector<16xf32>,
    tpu.vector_store %arg16[%swap3A], %select_n3A_76 {strides = array<i32>} : memref<16xf32, #tpu.memory_space<vmem>>, vector<16xf32>,
    %mul3A_78 = arith.constant 16 : i32
    %mul3A_79 = arith.muli %arg0, %mul3A_78 : i32
    %add3A_80 = arith.addi %mul3A_79, %select_n3A_7 : i32
    "tpu.region"() ({
      %run_scoped3A = tpu.sem_alloc : memref<!tpu.dma_semaphore, #tpu.memory_space<semaphore_mem>>
      %dma_start3A = arith.constant 0 : i32
      %dma_start3A_81 = tpu.memref_slice %arg7[%add3A_80, %dma_start3A] : memref<32x16xf32, #tpu.memory_space<hbm>> -> memref<1x16xf32, #tpu.memory_space<hbm>>
      %dma_start3A_82 = tpu.memref_squeeze %dma_start3A_81 : memref<1x16xf32, #tpu.memory_space<hbm>> -> memref<16xf32, #tpu.memory_space<hbm>>
      %dma_start3A_83 = arith.constant 0 : i32
      %dma_start3A_84 = tpu.memref_slice %arg7[%add3A_80, %dma_start3A_83] : memref<32x16xf32, #tpu.memory_space<hbm>> -> memref<1x16xf32, #tpu.memory_space<hbm>>
      %dma_start3A_85 = tpu.memref_squeeze %dma_start3A_84 : memref<1x16xf32, #tpu.memory_space<hbm>> -> memref<16xf32, #tpu.memory_space<hbm>>
      tpu.enqueue_dma source(%arg16 : memref<16xf32, #tpu.memory_space<vmem>>) target(%dma_start3A_85 : memref<16xf32, #tpu.memory_space<hbm>>) target_semaphore(%run_scoped3A : memref<!tpu.dma_semaphore, #tpu.memory_space<semaphore_mem>>)
      %dma_wait3A = arith.constant 0 : i32
      %dma_wait3A_86 = tpu.memref_slice %arg7[%add3A_80, %dma_wait3A] : memref<32x16xf32, #tpu.memory_space<hbm>> -> memref<1x16xf32, #tpu.memory_space<hbm>>
      %dma_wait3A_87 = tpu.memref_squeeze %dma_wait3A_86 : memref<1x16xf32, #tpu.memory_space<hbm>> -> memref<16xf32, #tpu.memory_space<hbm>>
      %dma_wait3A_88 = arith.constant 0 : i32
      %dma_wait3A_89 = tpu.memref_slice %arg7[%add3A_80, %dma_wait3A_88] : memref<32x16xf32, #tpu.memory_space<hbm>> -> memref<1x16xf32, #tpu.memory_space<hbm>>
      %dma_wait3A_90 = tpu.memref_squeeze %dma_wait3A_89 : memref<1x16xf32, #tpu.memory_space<hbm>> -> memref<16xf32, #tpu.memory_space<hbm>>
      tpu.wait_dma2 semaphore(%run_scoped3A : memref<!tpu.dma_semaphore, #tpu.memory_space<semaphore_mem>>) src(%arg16 : memref<16xf32, #tpu.memory_space<vmem>>) dst(%dma_wait3A_90 : memref<16xf32, #tpu.memory_space<hbm>>)
      tpu.yield
    }) : () -> ()
    return
  }
}

module attributes {stable_mosaic.version = 14 : i64} {
  func.func @_mag_body(%arg0: i32, %arg1: memref<1x3x512x512xf32, #tpu.memory_space<vmem>>, %arg2: memref<512x256xf32, #tpu.memory_space<vmem>>, %arg3: memref<512x256xf32, #tpu.memory_space<vmem>>, %arg4: memref<512x256xf32, #tpu.memory_space<vmem>>, %arg5: memref<512x256xf32, #tpu.memory_space<vmem>>, %arg6: memref<264x512xf32, #tpu.memory_space<vmem>>, %arg7: memref<264x512xf32, #tpu.memory_space<vmem>>, %arg8: memref<264x512xf32, #tpu.memory_space<vmem>>, %arg9: memref<264x512xf32, #tpu.memory_space<vmem>>, %arg10: memref<1x264x512xf32, #tpu.memory_space<vmem>>) attributes {dimension_semantics = [#tpu.dimension_semantics<arbitrary>], iteration_bounds = array<i64: 32>, scalar_prefetch = 0 : i64, scratch_operands = 0 : i64, tpu.core_type = #tpu.core_type<tc>, window_params = [{transform_indices = @transform_0, window_bounds = array<i64: 1, 3, 512, 512>}, {pipeline_mode = #tpu.pipeline_mode<synchronous>, transform_indices = @transform_1, window_bounds = array<i64: 512, 256>}, {pipeline_mode = #tpu.pipeline_mode<synchronous>, transform_indices = @transform_2, window_bounds = array<i64: 512, 256>}, {pipeline_mode = #tpu.pipeline_mode<synchronous>, transform_indices = @transform_3, window_bounds = array<i64: 512, 256>}, {pipeline_mode = #tpu.pipeline_mode<synchronous>, transform_indices = @transform_4, window_bounds = array<i64: 512, 256>}, {pipeline_mode = #tpu.pipeline_mode<synchronous>, transform_indices = @transform_5, window_bounds = array<i64: 264, 512>}, {pipeline_mode = #tpu.pipeline_mode<synchronous>, transform_indices = @transform_6, window_bounds = array<i64: 264, 512>}, {pipeline_mode = #tpu.pipeline_mode<synchronous>, transform_indices = @transform_7, window_bounds = array<i64: 264, 512>}, {pipeline_mode = #tpu.pipeline_mode<synchronous>, transform_indices = @transform_8, window_bounds = array<i64: 264, 512>}, {transform_indices = @transform_9, window_bounds = array<i64: 1, 264, 512>}]} {
    %get3A = arith.constant 0 : index
    %get3A_0 = arith.constant 0 : index
    %get3A_1 = arith.constant 0 : index
    %get3A_2 = arith.constant 0 : index
    %get3A_3 = vector.load %arg1[%get3A, %get3A_0, %get3A_1, %get3A_2] : memref<1x3x512x512xf32, #tpu.memory_space<vmem>>, vector<1x1x512x512xf32>
    %get3A_4 = vector.shape_cast %get3A_3 : vector<1x1x512x512xf32> to vector<512x512xf32>
    %mul3A = arith.constant 2.989000e-01 : f32
    %mul3A_5 = vector.broadcast %mul3A : f32 to vector<512x512xf32>
    %mul3A_6 = arith.mulf %mul3A_5, %get3A_4 : vector<512x512xf32>
    %get3A_7 = arith.constant 0 : index
    %get3A_8 = arith.constant 1 : index
    %get3A_9 = arith.constant 0 : index
    %get3A_10 = arith.constant 0 : index
    %get3A_11 = vector.load %arg1[%get3A_7, %get3A_8, %get3A_9, %get3A_10] : memref<1x3x512x512xf32, #tpu.memory_space<vmem>>, vector<1x1x512x512xf32>
    %get3A_12 = vector.shape_cast %get3A_11 : vector<1x1x512x512xf32> to vector<512x512xf32>
    %mul3A_13 = arith.constant 5.870000e-01 : f32
    %mul3A_14 = vector.broadcast %mul3A_13 : f32 to vector<512x512xf32>
    %mul3A_15 = arith.mulf %mul3A_14, %get3A_12 : vector<512x512xf32>
    %add3A = arith.addf %mul3A_6, %mul3A_15 : vector<512x512xf32>
    %get3A_16 = arith.constant 0 : index
    %get3A_17 = arith.constant 2 : index
    %get3A_18 = arith.constant 0 : index
    %get3A_19 = arith.constant 0 : index
    %get3A_20 = vector.load %arg1[%get3A_16, %get3A_17, %get3A_18, %get3A_19] : memref<1x3x512x512xf32, #tpu.memory_space<vmem>>, vector<1x1x512x512xf32>
    %get3A_21 = vector.shape_cast %get3A_20 : vector<1x1x512x512xf32> to vector<512x512xf32>
    %mul3A_22 = arith.constant 1.140000e-01 : f32
    %mul3A_23 = vector.broadcast %mul3A_22 : f32 to vector<512x512xf32>
    %mul3A_24 = arith.mulf %mul3A_23, %get3A_21 : vector<512x512xf32>
    %add3A_25 = arith.addf %add3A, %mul3A_24 : vector<512x512xf32>
    %get3A_26 = arith.constant 0 : index
    %get3A_27 = arith.constant 0 : index
    %get3A_28 = vector.load %arg2[%get3A_26, %get3A_27] : memref<512x256xf32, #tpu.memory_space<vmem>>, vector<512x256xf32>
    %dot_general3A = arith.constant dense<0.000000e+00> : vector<512x256xf32>
    %dot_general3A_29 = tpu.matmul %add3A_25, %get3A_28, %dot_general3A {dimension_numbers = #tpu.dot_dimension_numbers<[1], [0], [0], [1], [0, 0, 1, 1], [], []>, precision = #tpu.contract_precision<fp32>, transpose_lhs_hint = false} : vector<512x512xf32>, vector<512x256xf32>, vector<512x256xf32> -> vector<512x256xf32>
    %get3A_30 = arith.constant 0 : index
    %get3A_31 = arith.constant 0 : index
    %get3A_32 = vector.load %arg3[%get3A_30, %get3A_31] : memref<512x256xf32, #tpu.memory_space<vmem>>, vector<512x256xf32>
    %dot_general3A_33 = arith.constant dense<0.000000e+00> : vector<512x256xf32>
    %dot_general3A_34 = tpu.matmul %add3A_25, %get3A_32, %dot_general3A_33 {dimension_numbers = #tpu.dot_dimension_numbers<[1], [0], [0], [1], [0, 0, 1, 1], [], []>, precision = #tpu.contract_precision<fp32>, transpose_lhs_hint = false} : vector<512x512xf32>, vector<512x256xf32>, vector<512x256xf32> -> vector<512x256xf32>
    %add3A_35 = arith.addf %dot_general3A_29, %dot_general3A_34 : vector<512x256xf32>
    %get3A_36 = arith.constant 0 : index
    %get3A_37 = arith.constant 0 : index
    %get3A_38 = vector.load %arg4[%get3A_36, %get3A_37] : memref<512x256xf32, #tpu.memory_space<vmem>>, vector<512x256xf32>
    %dot_general3A_39 = arith.constant dense<0.000000e+00> : vector<512x256xf32>
    %dot_general3A_40 = tpu.matmul %add3A_25, %get3A_38, %dot_general3A_39 {dimension_numbers = #tpu.dot_dimension_numbers<[1], [0], [0], [1], [0, 0, 1, 1], [], []>, precision = #tpu.contract_precision<fp32>, transpose_lhs_hint = false} : vector<512x512xf32>, vector<512x256xf32>, vector<512x256xf32> -> vector<512x256xf32>
    %get3A_41 = arith.constant 0 : index
    %get3A_42 = arith.constant 0 : index
    %get3A_43 = vector.load %arg5[%get3A_41, %get3A_42] : memref<512x256xf32, #tpu.memory_space<vmem>>, vector<512x256xf32>
    %dot_general3A_44 = arith.constant dense<0.000000e+00> : vector<512x256xf32>
    %dot_general3A_45 = tpu.matmul %add3A_25, %get3A_43, %dot_general3A_44 {dimension_numbers = #tpu.dot_dimension_numbers<[1], [0], [0], [1], [0, 0, 1, 1], [], []>, precision = #tpu.contract_precision<fp32>, transpose_lhs_hint = false} : vector<512x512xf32>, vector<512x256xf32>, vector<512x256xf32> -> vector<512x256xf32>
    %add3A_46 = arith.addf %dot_general3A_40, %dot_general3A_45 : vector<512x256xf32>
    %iota3A = tpu.iota {dimensions = array<i32: 1>} : vector<512x256xi32>
    %eq3A = arith.constant 0 : i32
    %eq3A_47 = vector.broadcast %eq3A : i32 to vector<512x256xi32>
    %eq3A_48 = arith.cmpi eq, %iota3A, %eq3A_47 : vector<512x256xi32>
    %jit3A = arith.constant 0.000000e+00 : f32
    %broadcast_in_dim3A = vector.broadcast %jit3A : f32 to vector<512x256xf32>
    %select_n3A = arith.select %eq3A_48, %broadcast_in_dim3A, %add3A_46 : vector<512x256xi1>, vector<512x256xf32>
    %slice3A = vector.extract_strided_slice %add3A_46 {offsets = [0, 0], sizes = [512, 1], strides = [1, 1]} : vector<512x256xf32> to vector<512x1xf32>
    %get3A_49 = arith.constant 0 : index
    %get3A_50 = arith.constant 0 : index
    %get3A_51 = vector.load %arg6[%get3A_49, %get3A_50] : memref<264x512xf32, #tpu.memory_space<vmem>>, vector<264x512xf32>
    %dot_general3A_52 = arith.constant dense<0.000000e+00> : vector<264x256xf32>
    %dot_general3A_53 = tpu.matmul %get3A_51, %add3A_35, %dot_general3A_52 {dimension_numbers = #tpu.dot_dimension_numbers<[1], [0], [0], [1], [0, 0, 1, 1], [], []>, precision = #tpu.contract_precision<fp32>, transpose_lhs_hint = false} : vector<264x512xf32>, vector<512x256xf32>, vector<264x256xf32> -> vector<264x256xf32>
    %get3A_54 = arith.constant 0 : index
    %get3A_55 = arith.constant 0 : index
    %get3A_56 = vector.load %arg7[%get3A_54, %get3A_55] : memref<264x512xf32, #tpu.memory_space<vmem>>, vector<264x512xf32>
    %dot_general3A_57 = arith.constant dense<0.000000e+00> : vector<264x256xf32>
    %dot_general3A_58 = tpu.matmul %get3A_56, %add3A_35, %dot_general3A_57 {dimension_numbers = #tpu.dot_dimension_numbers<[1], [0], [0], [1], [0, 0, 1, 1], [], []>, precision = #tpu.contract_precision<fp32>, transpose_lhs_hint = false} : vector<264x512xf32>, vector<512x256xf32>, vector<264x256xf32> -> vector<264x256xf32>
    %add3A_59 = arith.addf %dot_general3A_53, %dot_general3A_58 : vector<264x256xf32>
    %get3A_60 = arith.constant 0 : index
    %get3A_61 = arith.constant 0 : index
    %get3A_62 = vector.load %arg8[%get3A_60, %get3A_61] : memref<264x512xf32, #tpu.memory_space<vmem>>, vector<264x512xf32>
    %dot_general3A_63 = arith.constant dense<0.000000e+00> : vector<264x256xf32>
    %dot_general3A_64 = tpu.matmul %get3A_62, %add3A_35, %dot_general3A_63 {dimension_numbers = #tpu.dot_dimension_numbers<[1], [0], [0], [1], [0, 0, 1, 1], [], []>, precision = #tpu.contract_precision<fp32>, transpose_lhs_hint = false} : vector<264x512xf32>, vector<512x256xf32>, vector<264x256xf32> -> vector<264x256xf32>
    %get3A_65 = arith.constant 0 : index
    %get3A_66 = arith.constant 0 : index
    %get3A_67 = vector.load %arg9[%get3A_65, %get3A_66] : memref<264x512xf32, #tpu.memory_space<vmem>>, vector<264x512xf32>
    %dot_general3A_68 = arith.constant dense<0.000000e+00> : vector<264x256xf32>
    %dot_general3A_69 = tpu.matmul %get3A_67, %add3A_35, %dot_general3A_68 {dimension_numbers = #tpu.dot_dimension_numbers<[1], [0], [0], [1], [0, 0, 1, 1], [], []>, precision = #tpu.contract_precision<fp32>, transpose_lhs_hint = false} : vector<264x512xf32>, vector<512x256xf32>, vector<264x256xf32> -> vector<264x256xf32>
    %add3A_70 = arith.addf %dot_general3A_64, %dot_general3A_69 : vector<264x256xf32>
    %get3A_71 = arith.constant 0 : index
    %get3A_72 = arith.constant 0 : index
    %get3A_73 = vector.load %arg6[%get3A_71, %get3A_72] : memref<264x512xf32, #tpu.memory_space<vmem>>, vector<264x512xf32>
    %dot_general3A_74 = arith.constant dense<0.000000e+00> : vector<264x256xf32>
    %dot_general3A_75 = tpu.matmul %get3A_73, %select_n3A, %dot_general3A_74 {dimension_numbers = #tpu.dot_dimension_numbers<[1], [0], [0], [1], [0, 0, 1, 1], [], []>, precision = #tpu.contract_precision<fp32>, transpose_lhs_hint = false} : vector<264x512xf32>, vector<512x256xf32>, vector<264x256xf32> -> vector<264x256xf32>
    %get3A_76 = arith.constant 0 : index
    %get3A_77 = arith.constant 0 : index
    %get3A_78 = vector.load %arg7[%get3A_76, %get3A_77] : memref<264x512xf32, #tpu.memory_space<vmem>>, vector<264x512xf32>
    %dot_general3A_79 = arith.constant dense<0.000000e+00> : vector<264x256xf32>
    %dot_general3A_80 = tpu.matmul %get3A_78, %select_n3A, %dot_general3A_79 {dimension_numbers = #tpu.dot_dimension_numbers<[1], [0], [0], [1], [0, 0, 1, 1], [], []>, precision = #tpu.contract_precision<fp32>, transpose_lhs_hint = false} : vector<264x512xf32>, vector<512x256xf32>, vector<264x256xf32> -> vector<264x256xf32>
    %add3A_81 = arith.addf %dot_general3A_75, %dot_general3A_80 : vector<264x256xf32>
    %get3A_82 = arith.constant 0 : index
    %get3A_83 = arith.constant 0 : index
    %get3A_84 = vector.load %arg8[%get3A_82, %get3A_83] : memref<264x512xf32, #tpu.memory_space<vmem>>, vector<264x512xf32>
    %dot_general3A_85 = arith.constant dense<0.000000e+00> : vector<264x256xf32>
    %dot_general3A_86 = tpu.matmul %get3A_84, %select_n3A, %dot_general3A_85 {dimension_numbers = #tpu.dot_dimension_numbers<[1], [0], [0], [1], [0, 0, 1, 1], [], []>, precision = #tpu.contract_precision<fp32>, transpose_lhs_hint = false} : vector<264x512xf32>, vector<512x256xf32>, vector<264x256xf32> -> vector<264x256xf32>
    %get3A_87 = arith.constant 0 : index
    %get3A_88 = arith.constant 0 : index
    %get3A_89 = vector.load %arg9[%get3A_87, %get3A_88] : memref<264x512xf32, #tpu.memory_space<vmem>>, vector<264x512xf32>
    %dot_general3A_90 = arith.constant dense<0.000000e+00> : vector<264x256xf32>
    %dot_general3A_91 = tpu.matmul %get3A_89, %select_n3A, %dot_general3A_90 {dimension_numbers = #tpu.dot_dimension_numbers<[1], [0], [0], [1], [0, 0, 1, 1], [], []>, precision = #tpu.contract_precision<fp32>, transpose_lhs_hint = false} : vector<264x512xf32>, vector<512x256xf32>, vector<264x256xf32> -> vector<264x256xf32>
    %add3A_92 = arith.addf %dot_general3A_86, %dot_general3A_91 : vector<264x256xf32>
    %transpose3A = tpu.transpose %slice3A, [1, 0] : vector<512x1xf32> -> vector<1x512xf32>
    %get3A_93 = arith.constant 0 : index
    %get3A_94 = arith.constant 0 : index
    %get3A_95 = vector.load %arg6[%get3A_93, %get3A_94] : memref<264x512xf32, #tpu.memory_space<vmem>>, vector<264x512xf32>
    %get3A_96 = arith.constant 0 : index
    %get3A_97 = arith.constant 0 : index
    %get3A_98 = vector.load %arg7[%get3A_96, %get3A_97] : memref<264x512xf32, #tpu.memory_space<vmem>>, vector<264x512xf32>
    %add3A_99 = arith.addf %get3A_95, %get3A_98 : vector<264x512xf32>
    %mul3A_100 = vector.broadcast %transpose3A : vector<1x512xf32> to vector<264x512xf32>
    %mul3A_101 = arith.mulf %add3A_99, %mul3A_100 : vector<264x512xf32>
    %reduce_sum3A = arith.constant dense<0.000000e+00> : vector<264xf32>
    %reduce_sum3A_102 = vector.multi_reduction <add>, %mul3A_101, %reduce_sum3A [1] : vector<264x512xf32> to vector<264xf32>
    %broadcast_in_dim3A_103 = vector.shape_cast %reduce_sum3A_102 : vector<264xf32> to vector<264x1xf32>
    %get3A_104 = arith.constant 0 : index
    %get3A_105 = arith.constant 0 : index
    %get3A_106 = vector.load %arg8[%get3A_104, %get3A_105] : memref<264x512xf32, #tpu.memory_space<vmem>>, vector<264x512xf32>
    %get3A_107 = arith.constant 0 : index
    %get3A_108 = arith.constant 0 : index
    %get3A_109 = vector.load %arg9[%get3A_107, %get3A_108] : memref<264x512xf32, #tpu.memory_space<vmem>>, vector<264x512xf32>
    %add3A_110 = arith.addf %get3A_106, %get3A_109 : vector<264x512xf32>
    %mul3A_111 = vector.broadcast %transpose3A : vector<1x512xf32> to vector<264x512xf32>
    %mul3A_112 = arith.mulf %add3A_110, %mul3A_111 : vector<264x512xf32>
    %reduce_sum3A_113 = arith.constant dense<0.000000e+00> : vector<264xf32>
    %reduce_sum3A_114 = vector.multi_reduction <add>, %mul3A_112, %reduce_sum3A_113 [1] : vector<264x512xf32> to vector<264xf32>
    %broadcast_in_dim3A_115 = vector.shape_cast %reduce_sum3A_114 : vector<264xf32> to vector<264x1xf32>
    %iota3A_116 = tpu.iota {dimensions = array<i32: 1>} : vector<264x256xi32>
    %eq3A_117 = arith.constant 0 : i32
    %eq3A_118 = vector.broadcast %eq3A_117 : i32 to vector<264x256xi32>
    %eq3A_119 = arith.cmpi eq, %iota3A_116, %eq3A_118 : vector<264x256xi32>
    %sub3A = arith.subf %add3A_59, %add3A_92 : vector<264x256xf32>
    %add3A_120 = arith.addf %add3A_81, %add3A_70 : vector<264x256xf32>
    %add3A_121 = arith.constant 9.99999993E-9 : f32
    %add3A_122 = vector.broadcast %add3A_121 : f32 to vector<264x256xf32>
    %add3A_123 = arith.addf %sub3A, %add3A_122 : vector<264x256xf32>
    %add3A_124 = arith.constant 9.99999993E-9 : f32
    %add3A_125 = vector.broadcast %add3A_124 : f32 to vector<264x256xf32>
    %add3A_126 = arith.addf %add3A_120, %add3A_125 : vector<264x256xf32>
    %mul3A_127 = arith.mulf %add3A_123, %add3A_123 : vector<264x256xf32>
    %mul3A_128 = arith.mulf %add3A_126, %add3A_126 : vector<264x256xf32>
    %add3A_129 = arith.addf %mul3A_127, %mul3A_128 : vector<264x256xf32>
    %add3A_130 = arith.constant 1.000000e-10 : f32
    %add3A_131 = vector.broadcast %add3A_130 : f32 to vector<264x256xf32>
    %add3A_132 = arith.addf %add3A_129, %add3A_131 : vector<264x256xf32>
    %sqrt3A = math.sqrt %add3A_132 : vector<264x256xf32>
    %add3A_133 = arith.constant 1.000000e-10 : f32
    %add3A_134 = vector.broadcast %add3A_133 : f32 to vector<264x256xf32>
    %add3A_135 = arith.addf %sqrt3A, %add3A_134 : vector<264x256xf32>
    %log3A = math.log %add3A_135 : vector<264x256xf32>
    %add3A_136 = arith.addf %add3A_59, %add3A_92 : vector<264x256xf32>
    %broadcast_in_dim3A_137 = vector.shape_cast %broadcast_in_dim3A_103 : vector<264x1xf32> to vector<264x1xf32>
    %broadcast_in_dim3A_138 = vector.broadcast %broadcast_in_dim3A_137 : vector<264x1xf32> to vector<264x256xf32>
    %select_n3A_139 = arith.select %eq3A_119, %broadcast_in_dim3A_138, %add3A_136 : vector<264x256xi1>, vector<264x256xf32>
    %sub3A_140 = arith.subf %add3A_81, %add3A_70 : vector<264x256xf32>
    %broadcast_in_dim3A_141 = vector.shape_cast %broadcast_in_dim3A_115 : vector<264x1xf32> to vector<264x1xf32>
    %broadcast_in_dim3A_142 = vector.broadcast %broadcast_in_dim3A_141 : vector<264x1xf32> to vector<264x256xf32>
    %select_n3A_143 = arith.select %eq3A_119, %broadcast_in_dim3A_142, %sub3A_140 : vector<264x256xi1>, vector<264x256xf32>
    %add3A_144 = arith.constant 9.99999993E-9 : f32
    %add3A_145 = vector.broadcast %add3A_144 : f32 to vector<264x256xf32>
    %add3A_146 = arith.addf %select_n3A_139, %add3A_145 : vector<264x256xf32>
    %add3A_147 = arith.constant 9.99999993E-9 : f32
    %add3A_148 = vector.broadcast %add3A_147 : f32 to vector<264x256xf32>
    %add3A_149 = arith.addf %select_n3A_143, %add3A_148 : vector<264x256xf32>
    %mul3A_150 = arith.mulf %add3A_146, %add3A_146 : vector<264x256xf32>
    %mul3A_151 = arith.mulf %add3A_149, %add3A_149 : vector<264x256xf32>
    %add3A_152 = arith.addf %mul3A_150, %mul3A_151 : vector<264x256xf32>
    %add3A_153 = arith.constant 1.000000e-10 : f32
    %add3A_154 = vector.broadcast %add3A_153 : f32 to vector<264x256xf32>
    %add3A_155 = arith.addf %add3A_152, %add3A_154 : vector<264x256xf32>
    %sqrt3A_156 = math.sqrt %add3A_155 : vector<264x256xf32>
    %add3A_157 = arith.constant 1.000000e-10 : f32
    %add3A_158 = vector.broadcast %add3A_157 : f32 to vector<264x256xf32>
    %add3A_159 = arith.addf %sqrt3A_156, %add3A_158 : vector<264x256xf32>
    %log3A_160 = math.log %add3A_159 : vector<264x256xf32>
    %iota3A_161 = tpu.iota {dimensions = array<i32: 0>} : vector<264x256xi32>
    %ge3A = arith.constant 257 : i32
    %ge3A_162 = vector.broadcast %ge3A : i32 to vector<264x256xi32>
    %ge3A_163 = arith.cmpi sge, %iota3A_161, %ge3A_162 : vector<264x256xi32>
    %eq3A_164 = arith.constant 0 : i32
    %eq3A_165 = vector.broadcast %eq3A_164 : i32 to vector<264x256xi32>
    %eq3A_166 = arith.cmpi eq, %iota3A_161, %eq3A_165 : vector<264x256xi32>
    %eq3A_167 = arith.constant 256 : i32
    %eq3A_168 = vector.broadcast %eq3A_167 : i32 to vector<264x256xi32>
    %eq3A_169 = arith.cmpi eq, %iota3A_161, %eq3A_168 : vector<264x256xi32>
    %or3A = arith.ori %eq3A_166, %eq3A_169 : vector<264x256xi1>
    %jit3A_170 = arith.constant 1.000000e+00 : f32
    %jit3A_171 = arith.constant 2.000000e+00 : f32
    %broadcast_in_dim3A_172 = vector.broadcast %jit3A_170 : f32 to vector<264x256xf32>
    %broadcast_in_dim3A_173 = vector.broadcast %jit3A_171 : f32 to vector<264x256xf32>
    %select_n3A_174 = arith.select %or3A, %broadcast_in_dim3A_172, %broadcast_in_dim3A_173 : vector<264x256xi1>, vector<264x256xf32>
    %jit3A_175 = arith.constant 0.000000e+00 : f32
    %broadcast_in_dim3A_176 = vector.broadcast %jit3A_175 : f32 to vector<264x256xf32>
    %select_n3A_177 = arith.select %ge3A_163, %broadcast_in_dim3A_176, %select_n3A_174 : vector<264x256xi1>, vector<264x256xf32>
    %mul3A_178 = arith.mulf %select_n3A_177, %log3A : vector<264x256xf32>
    %swap3A = arith.constant 0 : index
    %swap3A_179 = arith.constant 0 : index
    %swap3A_180 = arith.constant 0 : index
    %swap3A_181 = vector.load %arg10[%swap3A, %swap3A_179, %swap3A_180] : memref<1x264x512xf32, #tpu.memory_space<vmem>>, vector<1x264x256xf32>
    %swap3A_182 = vector.shape_cast %swap3A_181 : vector<1x264x256xf32> to vector<264x256xf32>
    %swap3A_183 = vector.shape_cast %mul3A_178 : vector<264x256xf32> to vector<1x264x256xf32>
    tpu.vector_store %arg10[%swap3A, %swap3A_179, %swap3A_180], %swap3A_183 {strides = array<i32>} : memref<1x264x512xf32, #tpu.memory_space<vmem>>, vector<1x264x256xf32>,
    %mul3A_184 = arith.mulf %select_n3A_177, %log3A_160 : vector<264x256xf32>
    %swap3A_185 = arith.constant 0 : index
    %swap3A_186 = arith.constant 0 : index
    %swap3A_187 = arith.constant 256 : index
    %swap3A_188 = vector.load %arg10[%swap3A_185, %swap3A_186, %swap3A_187] : memref<1x264x512xf32, #tpu.memory_space<vmem>>, vector<1x264x256xf32>
    %swap3A_189 = vector.shape_cast %swap3A_188 : vector<1x264x256xf32> to vector<264x256xf32>
    %swap3A_190 = vector.shape_cast %mul3A_184 : vector<264x256xf32> to vector<1x264x256xf32>
    tpu.vector_store %arg10[%swap3A_185, %swap3A_186, %swap3A_187], %swap3A_190 {strides = array<i32>} : memref<1x264x512xf32, #tpu.memory_space<vmem>>, vector<1x264x256xf32>,
    return
  }
  func.func @transform_0(%arg0: i32) -> (i32, i32, i32, i32) {
    %c0_i32 = arith.constant 0 : i32
    %c0_i32_0 = arith.constant 0 : i32
    %c0_i32_1 = arith.constant 0 : i32
    %c0_i32_2 = arith.constant 0 : i32
    return %arg0, %c0_i32, %c0_i32_0, %c0_i32_1 : i32, i32, i32, i32
  }
  func.func @transform_1(%arg0: i32) -> (i32, i32) {
    %c0_i32 = arith.constant 0 : i32
    %c0_i32_0 = arith.constant 0 : i32
    %c0_i32_1 = arith.constant 0 : i32
    return %c0_i32, %c0_i32_0 : i32, i32
  }
  func.func @transform_2(%arg0: i32) -> (i32, i32) {
    %c0_i32 = arith.constant 0 : i32
    %c0_i32_0 = arith.constant 0 : i32
    %c0_i32_1 = arith.constant 0 : i32
    return %c0_i32, %c0_i32_0 : i32, i32
  }
  func.func @transform_3(%arg0: i32) -> (i32, i32) {
    %c0_i32 = arith.constant 0 : i32
    %c0_i32_0 = arith.constant 0 : i32
    %c0_i32_1 = arith.constant 0 : i32
    return %c0_i32, %c0_i32_0 : i32, i32
  }
  func.func @transform_4(%arg0: i32) -> (i32, i32) {
    %c0_i32 = arith.constant 0 : i32
    %c0_i32_0 = arith.constant 0 : i32
    %c0_i32_1 = arith.constant 0 : i32
    return %c0_i32, %c0_i32_0 : i32, i32
  }
  func.func @transform_5(%arg0: i32) -> (i32, i32) {
    %c0_i32 = arith.constant 0 : i32
    %c0_i32_0 = arith.constant 0 : i32
    %c0_i32_1 = arith.constant 0 : i32
    return %c0_i32, %c0_i32_0 : i32, i32
  }
  func.func @transform_6(%arg0: i32) -> (i32, i32) {
    %c0_i32 = arith.constant 0 : i32
    %c0_i32_0 = arith.constant 0 : i32
    %c0_i32_1 = arith.constant 0 : i32
    return %c0_i32, %c0_i32_0 : i32, i32
  }
  func.func @transform_7(%arg0: i32) -> (i32, i32) {
    %c0_i32 = arith.constant 0 : i32
    %c0_i32_0 = arith.constant 0 : i32
    %c0_i32_1 = arith.constant 0 : i32
    return %c0_i32, %c0_i32_0 : i32, i32
  }
  func.func @transform_8(%arg0: i32) -> (i32, i32) {
    %c0_i32 = arith.constant 0 : i32
    %c0_i32_0 = arith.constant 0 : i32
    %c0_i32_1 = arith.constant 0 : i32
    return %c0_i32, %c0_i32_0 : i32, i32
  }
  func.func @transform_9(%arg0: i32) -> (i32, i32, i32) {
    %c0_i32 = arith.constant 0 : i32
    %c0_i32_0 = arith.constant 0 : i32
    %c0_i32_1 = arith.constant 0 : i32
    return %arg0, %c0_i32, %c0_i32_0 : i32, i32, i32
  }
}

</mosaic_0001>

<sc_bundles>
// kernel: kernel.4.cloned.1.call-start
scs
__scs_entry_jumppad:
0x0: {  	(pc) =	sbr.rel $0x88, $3  }
0x1: {  	(tag) =	ssettag $0x0;
	lr =	simm.s32 $0x1  }
0x2: {  	[smem:$0x3F9E] =	sst lr;
	_ =	strace $0xD0000000  }
0x3: {  	_ = 	snop  }
0x4: {  	_ = 	snop  }
0x5: {  	_ = 	snop  }
0x6: {  	_ = 	snop  }
0x7: {  	_ = 	snop  }
__scs_overlays_trampoline_lowered:
0x8: {  	[smem:$0x3FAD] =	sst s0  }
0x9: {  	[smem:$0x3FAE] =	sst s1  }
0xa: {  	[smem:$0x3FAF] =	sst s2  }
0xb: {  	[smem:$0x3FB0] =	sst s3  }
0xc: {  	[smem:$0x3FB1] =	sst s4  }
0xd: {  	[smem:$0x3FB2] =	sst s5  }
0xe: {  	[smem:$0x3FB3] =	sst s6  }
0xf: {  	[smem:$0x3FB4] =	sst s7  }
0x10: {  	[smem:$0x3FB5] =	sst s8  }
0x11: {  	[smem:$0x3FB6] =	sst s9;
	s0 =	simm.s32 @!p0 $0x0  }
0x12: {  	s1 =	sld [smem:$0x3F9C];
	s0 =	simm.s32 @p0 $0x1  }
0x13: {  	[smem:$0x3FB7] =	sst s0;
	s0 =	simm.s32 @!p1 $0x0  }
0x14: {  	s2 =	sld [smem:$0x3F9B];
	s0 =	simm.s32 @p1 $0x1  }
0x15: {  	[smem:$0x3FB8] =	sst s0;
	s0 =	simm.s32 @!p2 $0x0  }
0x16: {  	s3 =	sld [smem:$0x3FDB];
	s0 =	simm.s32 @p2 $0x1  }
0x17: {  	s4 =	simm.s32 $0x1BF5;
	[smem:$0x3FBA] =	sst s0  }
0x18: {  	s0 =	sld [smem:$0x3F9D];
	_ =	swait.ge [sflag:s4], $0x0  }
0x19: {  	s7 =	sld [smem:$0x3F9E]  }
0x1a: {  	s8 =	sadd.s32 $0xFFFFE003, lr  }
0x1b: {  	s9 =	sadd.s32 $0xFFFFFEF7, lr;
	s5 =	simm.s32 $0xFFFFFFFF;
	p2 =	slt.u32 s8, $0xFFFFF086  }
0x1c: {  	p1 =	slt.u32 s9, $0xF7A;
	s5 =	simm.s32 @!p2 $0x0  }
0x1d: {  	s5 =	simm.s32 @p1 $0x1;
	p0 =	seq.s32 s7, s2  }
0x1e: {  	s7 =	smul.u32 @!p0 $0xF7A, s2;
	p2 =	seq.s32 @!p0 s5, $0x0  }
0x1f: {  	s9 =	smul.u32 $0xF7A, s1;
	s8 =	simm.s32 @!p0 $0x1BF5;
	p2 =	por !p2, p0  }
0x20: {  	[sflag:s8] =	ssyncset.s32 @!p0 $0xFFFFF086;
	s6 =	sadd.s32 @!p0 s3, s7;
	s7 =	simm.s32 @!p0 $0x108  }
0x21: {  	s3 =	sadd.s32 s3, s9;
	s6 =	sadd.s32 @!p0 $0x88, s6;
	s7 =	simm.s32 @p2 $0x1082  }
0x22: {  	[simem:s7], [sflag:s8] =	dma.local @!p0 [hbm:s6], $0xF7A  }
0x23: {  	s9 =	sor.u32 $0xD0000000, s2;
	s6 =	simm.s32 $0x108;
	_ =	swait.ge @!p0 [sflag:s8], $0x0  }
0x24: {  	s3 =	sadd.s32 $0x88, s3;
	s6 =	simm.s32 @!p1 $0x1082;
	[sflag:s4] =	ssyncset.s32 $0xFFFFF086  }
0x25: {  	[simem:s6], [sflag:s4] =	dma.local [hbm:s3], $0xF7A  }
0x26: {  	[smem:$0x3F9E] =	sst s1;
	(tag) =	ssettag s2;
	_ =	strace s9  }
0x27: {  	s1 =	sld [smem:$0x3FAE]  }
0x28: {  	s2 =	sld [smem:$0x3FAF]  }
0x29: {  	s4 =	sld [smem:$0x3FB1]  }
0x2a: {  	p0 =	seq.s32 s5, $0x0;
	s5 =	sld [smem:$0x3FB2]  }
0x2b: {  	s6 =	sld [smem:$0x3FB3]  }
0x2c: {  	s7 =	sld [smem:$0x3FB4]  }
0x2d: {  	s3 =	simm.s32 $0x108;
	s8 =	sld [smem:$0x3FB5]  }
0x2e: {  	s3 =	simm.s32 @!p0 $0x1082;
	s9 =	sld [smem:$0x3FB6]  }
0x2f: {  	lr =	sadd.s32 s0, s3;
	s0 =	sld [smem:$0x3FAD]  }
0x30: {  	s3 =	sld [smem:$0x3FB0]  }
0x31: {  	[smem:$0x3FB9] =	sst s10  }
0x32: {  	s10 =	sld [smem:$0x3FB7];
	_ =	sdelay $0x3  }
0x33: {  	p0 =	seq.s32 s10, $0x1;
	s10 =	sld [smem:$0x3FB9];
	_ =	sdelay $0x3  }
0x34: {  	[smem:$0x3FB9] =	sst s10  }
0x35: {  	s10 =	sld [smem:$0x3FB8];
	_ =	sdelay $0x3  }
0x36: {  	p1 =	seq.s32 s10, $0x1;
	s10 =	sld [smem:$0x3FB9];
	_ =	sdelay $0x3  }
0x37: {  	[smem:$0x3FB9] =	sst s10  }
0x38: {  	s10 =	sld [smem:$0x3FBA]  }
0x39: {  	_ = 	snop;
	(pc) =	sbr.ind lr, $3  }
0x3a: {  	_ = 	snop  }
0x3b: {  	_ = 	snop  }
0x3c: {  	p2 =	seq.s32 s10, $0x1;
	s10 =	sld [smem:$0x3FB9]  }
0x3d: {  	_ =	shalt  }
0x3e: {  	_ =	shalt  }
0x3f: {  	_ =	shalt  }
0x40: {  	_ =	shalt  }
0x41: {  	_ =	shalt  }
0x42: {  	_ =	shalt  }
0x43: {  	_ =	shalt  }
0x44: {  	_ =	shalt  }
0x45: {  	_ =	shalt  }
0x46: {  	_ =	shalt  }
0x47: {  	_ =	shalt  }
0x48: {  	_ =	shalt  }
0x49: {  	_ =	shalt  }
0x4a: {  	_ =	shalt  }
0x4b: {  	_ =	shalt  }
0x4c: {  	_ =	shalt  }
0x4d: {  	_ =	shalt  }
0x4e: {  	_ =	shalt  }
0x4f: {  	_ =	shalt  }
0x50: {  	_ =	shalt  }
0x51: {  	_ =	shalt  }
0x52: {  	_ =	shalt  }
0x53: {  	_ =	shalt  }
0x54: {  	_ =	shalt  }
0x55: {  	_ =	shalt  }
0x56: {  	_ =	shalt  }
0x57: {  	_ =	shalt  }
0x58: {  	_ =	shalt  }
0x59: {  	_ =	shalt  }
0x5a: {  	_ =	shalt  }
0x5b: {  	_ =	shalt  }
0x5c: {  	_ =	shalt  }
0x5d: {  	_ =	shalt  }
0x5e: {  	_ =	shalt  }
0x5f: {  	_ =	shalt  }
0x60: {  	_ =	shalt  }
0x61: {  	_ =	shalt  }
0x62: {  	_ =	shalt  }
0x63: {  	_ =	shalt  }
0x64: {  	_ =	shalt  }
0x65: {  	_ =	shalt  }
0x66: {  	_ =	shalt  }
0x67: {  	_ =	shalt  }
0x68: {  	_ =	shalt  }
0x69: {  	_ =	shalt  }
0x6a: {  	_ =	shalt  }
0x6b: {  	_ =	shalt  }
0x6c: {  	_ =	shalt  }
0x6d: {  	_ =	shalt  }
0x6e: {  	_ =	shalt  }
0x6f: {  	_ =	shalt  }
0x70: {  	_ =	shalt  }
0x71: {  	_ =	shalt  }
0x72: {  	_ =	shalt  }
0x73: {  	_ =	shalt  }
0x74: {  	_ =	shalt  }
0x75: {  	_ =	shalt  }
0x76: {  	_ =	shalt  }
0x77: {  	_ =	shalt  }
0x78: {  	_ =	shalt  }
0x79: {  	_ =	shalt  }
0x7a: {  	_ =	shalt  }
0x7b: {  	_ =	shalt  }
0x7c: {  	_ =	shalt  }
0x7d: {  	_ =	shalt  }
0x7e: {  	_ =	shalt  }
0x7f: {  	_ =	shalt  }
0x80: {  	_ =	shalt  }
0x81: {  	_ =	shalt  }
0x82: {  	_ =	shalt  }
0x83: {  	_ =	shalt  }
0x84: {  	_ =	shalt  }
0x85: {  	_ =	shalt  }
0x86: {  	_ =	shalt  }
0x87: {  	_ =	shalt  }
.Lfunc_end0:
.L_simem_size_0:
called_computation_lowered:
.L_overlay_start_0:
0x88: {  	s2 =	sld [smem:$0x3FD9]  }
0x89: {  	s3 =	sld [smem:$0x3FFE];
	_ =	sdelay $0x1  }
0x8a: {  	s1 =	srdreg.scid  }
0x8b: {  	s0 =	sand.u32 $0x1, s1  }
0x8c: {  	s17 =	sshll.u32 s0, $0xA;
	s2 =	sadd.s32 s3, s2  }
0x8d: {  	s2 =	sadd.s32 s2, s17  }
0x8e: {  	[smem:$0x3FC5] =	sst s2  }
0x8f: {  	_ = 	snop  }
0x90: {  	s2 =	sld [smem:$0x3FD0];
	(tm) =	ssettm $0x1  }
0x91: {  	s18 =	sld [smem:$0x3FFB];
	_ =	sdelay $0x3  }
0x92: {  	_ =	strace s18  }
0x93: {  	s3 =	sld [smem:$0x3FFC];
	_ =	sdelay $0x3  }
0x94: {  	_ =	strace s3  }
0x95: {  	s3 =	sld [smem:$0x3FFD];
	_ =	sdelay $0x3  }
0x96: {  	_ =	strace s3  }
0x97: {  	_ =	strace $0x8FFFFFFF  }
0x98: {  	s19 =	sld [smem:$0x3FDB];
	_ =	sdelay $0x1  }
0x99: {  	s4 =	simm.s32 $_scs_section_size  }
0x9a: {  	s5 =	simm.s32 $_size__tile_overlayer_lowered;
	s6 =	simm.s32 $_tile_overlayer_lowered  }
0x9b: {  	s22 =	simm.s32 $0x1BFF;
	s21 =	sshll.u32 s6, $0x1;
	s3 =	sadd.s32 s4, s19  }
0x9c: {  	s7 =	simm.s32 $0x0;
	s20 =	sshll.u32 s5, $0x1;
	s5 =	sadd.s32 s21, s3  }
0x9d: {  	[timem:s7], [sflag:s22] =	dma.local [hbm:s5], s20  }
0x9e: {  	_ =	swait.ge [sflag:s22], s20  }
0x9f: {  	s4 =	ssub.s32 $0x0, s20;
	[sflag:s22] =	ssyncset.done $0x0  }
0xa0: {  	[sflag:s22] =	ssyncadd.s32 s4;
	_ =	sdelay $0x1  }
0xa1: {  	s23 =	simm.s32 $0x1B8B  }
0xa2: {  	_ =	swait.ge [sflag:s23], $0x1  }
0xa3: {  	[sflag:s23] =	ssyncset.done $0x0  }
0xa4: {  	s25 =	simm.s32 $0x1B8E;
	s24 =	sld [smem:$0x3FFE];
	[sflag:s23] =	ssyncadd.s32 $0xFFFFFFFF  }
0xa5: {  	s26 =	simm.s32 $execute0_lowered;
	[smem:$0x3FD2] =	sst s25  }
0xa6: {  	s5 =	sshll.u32 s26, $0x1;
	_ =	strace $0x80000046;
	[dreg:$0x1] =	wrdreg $0xFFFFFFFF  }
0xa7: {  	s28 =	simm.s32 $_size_execute0_lowered;
	s3 =	sadd.s32 s3, s5;
	[dreg:$0x0] =	wrdreg $0x0  }
0xa8: {  	s5 =	sshll.u32 s28, $0x1;
	[dreg:$0x2] =	wrdreg s3  }
0xa9: {  	[dreg:$0x3] =	wrdreg s5  }
0xaa: {  	[dreg:$0x4] =	wrdreg $0xC0  }
0xab: {  	_ =	task [dreg:s7], $0x5FFFF  }
0xac: {  	[dreg:$0x1] =	wrdreg $0xFFFFFFFF  }
0xad: {  	[dreg:$0x0] =	wrdreg $0x60  }
0xae: {  	[dreg:$0x2] =	wrdreg s24  }
0xaf: {  	[dreg:$0x3] =	wrdreg s2  }
0xb0: {  	[dreg:$0x4] =	wrdreg $0x60000  }
0xb1: {  	[dreg:$0x5] =	wrdreg $0x9  }
0xb2: {  	_ =	task.clear_ibuf [dreg:s7], $0x6FFFF;
	_ =	strace $0x90000046  }
0xb3: {  	s29 =	simm.s32 $0x9;
	_ =	strace $0x80000048  }
0xb4: {  	_ =	swait.ge [sflag:s29], $0x1  }
0xb5: {  	[sflag:s29] =	ssyncadd.s32 $0xFFFFFFFF  }
0xb6: {  	_ =	strace $0x90000048  }
0xb7: {  	_ =	sfence  }
0xb8: {  	s30 =	sld [smem:$0x0];
	_ =	sdelay $0x2  }
0xb9: {  	s31 =	sshll.u32 s1, $0xD;
	s1 =	sshrl.u32 s1, $0x2  }
0xba: {  	s3 =	sand.u32 $0x4000, s31;
	s1 =	sadd.s32 s1, s30  }
0xbb: {  	s0 =	sor.u32 s3, s0;
	s1 =	sshll.u32 s1, $0x11  }
0xbc: {  	s0 =	sor.u32 s1, s0  }
0xbd: {  	s0 =	sadd.s32 $0x8F2B, s0  }
0xbe: {  	[sflag:s0] =	ssyncadd.remote.s32 $0x1  }
0xbf: {  	_ =	sfence.sel $0xFFFF  }
0xc0: {  	[dreg:$0x0] =	wrdreg $0xFFFFFFFF;
	(pc) =	sbr.abs _section_cstart, $3  }
0xc1: {  	[dreg:$0x1] =	wrdreg $0xFFFFFFFF  }
0xc2: {  	_ =	task.clear_ibuf [dreg:s7], $0x2FFFF;
	_ =	strace $0x9FFFFFFF  }
0xc3: {  	(tm) =	ssettm $0x7FFFFFFF  }
tec
execute0_lowered:
.L_overlay_start_1:
0x0: {  	(tag) =	ssettag $0x1  }
0x1: {  	s7 =	rddreg [dreg:$0x0]  }
0x2: {  	s2 =	rddreg [dreg:$0x1]  }
0x3: {  	s11 =	rddreg [dreg:$0x2]  }
0x4: {  	s0 =	rddreg [dreg:$0x3];
	s3 =	simm.s32 $0x0  }
0x5: {  	s1 =	stileid.u32;
	s6 =	srdreg.scid;
	s16 =	simm.s32 $0x5A80  }
0x6: {  	s17 =	simm.s32 $0x5C00;
	s18 =	simm.s32 $0x80;
	s19 =	simm.s32 $0x400  }
0x7: {  	s20 =	simm.s32 $0x2100;
	s21 =	simm.s32 $0x4200;
	s22 =	simm.s32 $0x5E00  }
0x8: {  	s23 =	simm.s32 $0x5F80;
	s24 =	simm.s32 $0x0;
	[smem:$0x7FF] =	sst s3  }
0x9: {  	s5 =	smul.u32 $0x420, s1;
	s4 =	sadd.s32 $0x1A00, s7;
	s10 =	sand.u32 $0x1, s6  }
0xa: {  	s6 =	sadd.s32 $0x85A00, s7;
	s9 =	sshll.u32 s1, $0x4;
	s14 =	smul.u32 $0x5C00, s1  }
0xb: {  	s31 =	smul.u32 $0x5C0, s1;
	_ =	strace $0x80000047;
	s12 =	ssub.s32 $0x2, s10  }
0xc: {  	s13 =	sadd.s32 s9, s7;
	s9 =	smul.u32 $0x10800, s1;
	s8 =	sadd.s32 s5, s7  }
0xd: {  	s5 =	sadd.s32 $0x89E00, s7;
	s30 =	sshrl.u32 s12, $0x1;
	s14 =	sshrl.u32 s14, $0x2  }
0xe: {  	s7 =	sadd.s32 $0x85C00, s8;
	s8 =	sshll.u32 s10, $0x4;
	s10 =	sshll.u32 s10, $0x8  }
0xf: {  	s15 =	ssub.s32 s12, s30;
	s12 =	sshrl.u32 s31, $0x2;
	s13 =	sadd.s32 s10, s13  }
0x10: {  	v1 =	vlaneseq.u32;
	s10 =	sadd.s32 s14, s11;
	s11 =	sadd.s32 s12, s11;
	s14 =	simm.s32 $0x1  }
0x11: {  	v0 =	vimm.f32 $0.0e+00;
	vm0 =	vmmov $0x1;
	v1 =	vadd.s32 $0xFFFFFFFF, v1;
	s12 =	sadd.s32 $0x8A000, s13;
	s13 =	smax.u32 s15, $0x1;
	s15 =	simm.s32 $0x5900  }
.LBB2_1:
0x12: {  	[tilespmem:s3], [sflag:$0x1] =	stream.linear.gather [hbm4b:s7+s3], $0x2100, $0x38;
	[tilespmem:$0x7700] =	vst v63  }
0x13: {  	_ =	swait.ge [sflag:s14], $0x2100  }
0x14: {  	[sflag:s14] =	ssyncset.done $0x0  }
0x15: {  	[sflag:s14] =	ssyncadd.s32 $0xFFFFDF00  }
0x16: {  	[tilespmem:s15], [sflag:$0x1] =	stream.linear.gather [hbm4b:s5+s3], $0x180, $0x38;
	[tilespmem:$0x7700] =	vst v63  }
0x17: {  	_ =	swait.ge [sflag:s14], $0x180  }
0x18: {  	[sflag:s14] =	ssyncset.done $0x0  }
0x19: {  	[sflag:s14] =	ssyncadd.s32 $0xFFFFFE80  }
0x1a: {  	[tilespmem:s16], [sflag:$0x1] =	stream.linear.gather [hbm4b:s6+s3], $0x180, $0x38;
	[tilespmem:$0x7700] =	vst v63  }
0x1b: {  	_ =	swait.ge [sflag:s14], $0x180  }
0x1c: {  	[sflag:s14] =	ssyncset.done $0x0  }
0x1d: {  	[sflag:s14] =	ssyncadd.s32 $0xFFFFFE80  }
0x1e: {  	[tilespmem:s17], [sflag:$0x1] =	stream.linear.gather [hbm4b:s2+s3], $0x80, $0x38;
	[tilespmem:$0x7700] =	vst v63  }
0x1f: {  	_ =	swait.ge [sflag:s14], $0x80  }
0x20: {  	[sflag:s14] =	ssyncset.done $0x0  }
0x21: {  	s25 =	simm.s32 $0x40;
	s26 =	simm.s32 $0x0;
	[sflag:s14] =	ssyncadd.s32 $0xFFFFFF80  }
.LBB2_2:
0x22: {  	p0 =	sne.s32 s25, $0x5BC0;
	[tilespmem:s26+$0x4200] =	vst v0;
	s26 =	smov.u32 s25;
	s25 =	sadd.s32 $0x40, s25  }
.Ltmp0:
0x23: {  	(pc) =	sbr.rel @p0 .LBB2_2-.Ltmp0, $2  }
0x24: {  	_ =	sdelay $0x2  }
0x25: {  	s26 =	sshra.s32 s26, $0x2  }
0x26: {  	[tilespmem:s26+$0x4200] =	vst v0;
	s25 =	simm.s32 $0x0  }
.LBB2_4:
0x27: {  	s26 =	sadd.s32 s8, s25  }
0x28: {  	s26 =	sshrl.u32 s26, $0x3  }
0x29: {  	s26 =	smul.u32 $0x108000, s26  }
0x2a: {  	s28 =	sshll.u32 s25, $0x7  }
0x2b: {  	s28 =	sand.u32 $0x380, s28;
	s26 =	sadd.s32 s9, s26  }
0x2c: {  	s26 =	sor.u32 s28, s26  }
0x2d: {  	s26 =	sshrl.u32 s26, $0x3  }
0x2e: {  	s26 =	sadd.s32 s4, s26  }
0x2f: {  	[tilespmem:s20], [sflag:$0x1] =	stream.strided.gather [hbm4b:s26+s18], $0x2100, s19, s18, $0x38;
	[tilespmem:$0x7700] =	vst v63  }
0x30: {  	s31 =	smul.u32 $0x170, s25;
	_ =	swait.ge [sflag:s14], $0x2100  }
0x31: {  	[sflag:s14] =	ssyncset.done $0x0  }
0x32: {  	v2 =	vmov s31;
	s28 =	simm.s32 $0x0;
	s26 =	simm.s32 $0x40;
	[sflag:s14] =	ssyncadd.s32 $0xFFFFDF00  }
.LBB2_5:
0x33: {  	p0 =	sne.s32 s26, $0x83C0;
	v3 =	vld [tilespmem:s28+$0x0];
	_ =	sdelay $0x4  }
0x34: {  	v4 =	vld [tilespmem:s28+$0x2100];
	v3 =	vadd.s32 v2, v3  }
.Ltmp1:
0x35: {  	(pc) =	sbr.rel @p0 .LBB2_5-.Ltmp1, $2  }
0x36: {  	_ =	sdelay $0x2  }
0x37: {  	s28 =	sshra.s32 s26, $0x2;
	s26 =	sadd.s32 $0x40, s26;
	[tilespmem:v3+s21+$0x0] =	vst.idx.add.f32.msk $0xffff, v4  }
0x38: {  	v3 =	vld [tilespmem:s28+$0x0];
	_ =	sdelay $0x3  }
0x39: {  	s25 =	sadd.s32 $0x1, s25  }
0x3a: {  	v4 =	vld [tilespmem:s28+$0x2100];
	p0 =	sne.s32 s25, $0x10;
	v2 =	vadd.s32 v2, v3  }
.Ltmp2:
0x3b: {  	_ = 	snop;
	(pc) =	sbr.rel @p0 .LBB2_4-.Ltmp2, $2  }
0x3c: {  	_ =	sdelay $0x2  }
0x3d: {  	[tilespmem:v2+s21+$0x0] =	vst.idx.add.f32.msk $0xffff, v4  }
0x3e: {  	[spmem:s10] =	stream.linear.scatter [tilespmem:s21], [sflag:$0x1], $0x1700, $0x38;
	[tilespmem:$0x7700] =	vst v63  }
0x3f: {  	_ =	swait.ge [sflag:s14], $0x1700  }
0x40: {  	[sflag:s14] =	ssyncset.done $0x0  }
0x41: {  	[sflag:s14] =	ssyncadd.s32 $0xFFFFE900  }
0x42: {  	[bflag:$0x0] =	sbarrier.arrive $0xFFFF  }
0x43: {  	[tilespmem:$0x5C80] =	vst v0  }
0x44: {  	[tilespmem:$0x5C90] =	vst v0  }
0x45: {  	[tilespmem:$0x5CA0] =	vst v0  }
0x46: {  	[tilespmem:$0x5CB0] =	vst v0  }
0x47: {  	[tilespmem:$0x5CC0] =	vst v0  }
0x48: {  	[tilespmem:$0x5CD0] =	vst v0  }
0x49: {  	[tilespmem:$0x5CE0] =	vst v0  }
0x4a: {  	[tilespmem:$0x5CF0] =	vst v0  }
0x4b: {  	[tilespmem:$0x5D00] =	vst v0  }
0x4c: {  	[tilespmem:$0x5D10] =	vst v0  }
0x4d: {  	[tilespmem:$0x5D20] =	vst v0  }
0x4e: {  	[tilespmem:$0x5D30] =	vst v0  }
0x4f: {  	[tilespmem:$0x5D40] =	vst v0  }
0x50: {  	[tilespmem:$0x5D50] =	vst v0  }
0x51: {  	[tilespmem:$0x5D60] =	vst v0  }
0x52: {  	[tilespmem:$0x5D70] =	vst v0  }
0x53: {  	[tilespmem:$0x5D80] =	vst v0  }
0x54: {  	[tilespmem:$0x5D90] =	vst v0  }
0x55: {  	[tilespmem:$0x5DA0] =	vst v0  }
0x56: {  	[tilespmem:$0x5DB0] =	vst v0  }
0x57: {  	[tilespmem:$0x5DC0] =	vst v0  }
0x58: {  	[tilespmem:$0x5DD0] =	vst v0  }
0x59: {  	s25 =	simm.s32 $0x0;
	[tilespmem:$0x5DE0] =	vst v0  }
.LBB2_8:
0x5a: {  	s26 =	smul.u32 $0x5C00, s25;
	_ =	sdelay $0x1  }
0x5b: {  	s26 =	sshra.s32 s26, $0x2  }
0x5c: {  	s26 =	sadd.s32 s26, s11  }
0x5d: {  	[tilespmem:s22], [sflag:$0x1] =	stream.linear.gather [spmem:s26], $0x170, $0x38;
	[tilespmem:$0x7700] =	vst v63  }
0x5e: {  	_ =	swait.ge [sflag:s14], $0x170  }
0x5f: {  	[sflag:s14] =	ssyncset.done $0x0  }
0x60: {  	s26 =	simm.s32 $0x0;
	[sflag:s14] =	ssyncadd.s32 $0xFFFFFE90  }
0x61: {  	s28 =	simm.s32 $0x40;
	v2 =	vld [tilespmem:s26+$0x5E00]  }
.LBB2_9:
0x62: {  	p0 =	sne.s32 s28, $0x580;
	v3 =	vld [tilespmem:s26+$0x5C80];
	_ =	sdelay $0x2  }
.Ltmp3:
0x63: {  	(pc) =	sbr.rel @p0 .LBB2_9-.Ltmp3, $4  }
0x64: {  	_ = 	snop  }
0x65: {  	v3 =	vadd.f32 v2, v3  }
0x66: {  	s29 =	sshra.s32 s28, $0x2  }
0x67: {  	s28 =	sadd.s32 $0x40, s28;
	v2 =	vld [tilespmem:s29+$0x5E00];
	[tilespmem:s26+$0x5C80] =	vst v3;
	s26 =	smov.u32 s29  }
0x68: {  	v3 =	vld [tilespmem:s26+$0x5C80]  }
0x69: {  	s25 =	sadd.s32 $0x1, s25  }
0x6a: {  	p0 =	sne.s32 s25, $0x10  }
.Ltmp4:
0x6b: {  	_ = 	snop;
	(pc) =	sbr.rel @p0 .LBB2_8-.Ltmp4, $3  }
0x6c: {  	_ = 	snop  }
0x6d: {  	v2 =	vadd.f32 v2, v3;
	_ =	sdelay $0x1  }
0x6e: {  	[tilespmem:s26+$0x5C80] =	vst v2  }
0x6f: {  	s25 =	simm.s32 $0x5900  }
0x70: {  	v2 =	vld [tilespmem:s25+$0x0];
	_ =	sdelay $0x4  }
0x71: {  	v2 =	vadd.f32 $1.000000010e-10, v2  }
0x72: {  	s26 =	simm.s32 $0x5910  }
0x73: {  	(erf) = vrcp.f32 v2;
	v2 =	vld [tilespmem:s26+$0x0];
	_ =	sdelay $0x3  }
0x74: {  	s31 =	simm.s32 $0x5C80  }
0x75: {  	v5 =	vld [tilespmem:s31+$0x0];
	s26 =	simm.s32 $0x5920;
	v6 =	vadd.f32 $1.000000010e-10, v2  }
0x76: {  	v4 =	vld [tilespmem:s26+$0x0]  }
0x77: {  	(erf) = vrcp.f32 v6;
	_ =	sdelay $0x2  }
0x78: {  	v3 =	vimm.f32 $3.000000010e+38;
	s28 =	simm.s32 $0x5C90;
	s29 =	simm.s32 $0x30;
	s31 =	simm.s32 $0x0;
	v2 =	vimm.f32 $-3.000000010e+38;
	v7 =	vpop (erf)  }
0x79: {  	s30 =	simm.s32 $0x5930;
	s25 =	simm.s32 $0x10;
	s26 =	simm.s32 $0x20;
	v6 =	vadd.f32 $1.000000010e-10, v4;
	v4 =	vld [tilespmem:s28+$0x0];
	v5 =	vmul.f32 v7, v5;
	v7 =	vadd.s32 s31, v1  }
.LBB2_12:
0x7a: {  	v8 =	vld [tilespmem:s30+$0x0];
	p0 =	sne.s32 s29, $0x160;
	vm1 =	vlt.u32 v7, $0x168;
	s31 =	smov.u32 s29;
	s29 =	sadd.s32 $0x10, s29  }
.Ltmp5:
0x7b: {  	(erf) = vrcp.f32 v6;
	v6 =	vnsel vm1, $0x7F61B1E6, v5;
	v5 =	vnsel vm1, $0xFF61B1E6, v5;
	(pc) =	sbr.rel @p0 .LBB2_12-.Ltmp5, $3  }
0x7c: {  	v3 =	vmin.f32 v3, v6;
	v2 =	vmax.f32 v2, v5;
	_ =	sdelay $0x1  }
0x7d: {  	s28 =	sadd.s32 $0x10, s28;
	v5 =	vpop (erf)  }
0x7e: {  	s30 =	sadd.s32 $0x10, s30;
	v7 =	vadd.s32 s25, v1;
	s25 =	smov.u32 s26;
	s26 =	smov.u32 s31;
	v6 =	vadd.f32 $1.000000010e-10, v8;
	v5 =	vmul.f32 v5, v4;
	v4 =	vld [tilespmem:s28+$0x0]  }
0x7f: {  	_ = 	snop  }
0x80: {  	(erf) = vrcp.f32 v6;
	_ =	sdelay $0x3  }
0x81: {  	s28 =	sadd.s32 $0x10, s28  }
0x82: {  	v6 =	vld [tilespmem:s28+$0x0];
	_ =	sdelay $0x1  }
0x83: {  	vm1 =	vlt.u32 v7, $0x168  }
0x84: {  	v7 =	vnsel vm1, $0x7F61B1E6, v5;
	v5 =	vnsel vm1, $0xFF61B1E6, v5;
	v8 =	vpop (erf)  }
0x85: {  	v3 =	vmin.f32 v3, v7;
	v7 =	vadd.s32 s25, v1;
	v4 =	vmul.f32 v8, v4;
	v8 =	vpop (erf)  }
0x86: {  	vm1 =	vlt.u32 v7, $0x168;
	v7 =	vadd.s32 s26, v1;
	v6 =	vmul.f32 v8, v6  }
0x87: {  	v8 =	vnsel vm1, $0x7F61B1E6, v4;
	v4 =	vnsel vm1, $0xFF61B1E6, v4;
	vm1 =	vlt.u32 v7, $0x168  }
0x88: {  	v2 =	vmax.f32 v2, v5;
	v3 =	vmin.f32 v3, v8;
	v5 =	vnsel vm1, $0x7F61B1E6, v6  }
0x89: {  	v2 =	vmax.f32 v2, v4;
	v4 =	vnsel vm1, $0xFF61B1E6, v6;
	v3 =	vmin.f32 v3, v5  }
0x8a: {  	v2 =	vmax.f32 v2, v4;
	(xrf0) =	vmin.scan.msk.f32 $0xffff, v3  }
0x8b: {  	(xrf0) =	vmax.scan.msk.f32 $0xffff, v2;
	_ =	sdelay $0x4  }
0x8c: {  	v3, _, _ =	vpop (xrf0)  }
0x8d: {  	(v2sf) =	vpush v3, $0xF;
	v2, _, _ =	vpop (xrf0)  }
0x8e: {  	(v2sf) =	vpush v2, $0xF;
	_ =	sdelay $0xb  }
0x8f: {  	s30 =	simm.s32 $0x0  }
0x90: {  	v2 =	vld [tilespmem:s30+$0x5900]  }
0x91: {  	s31 =	spop (v2sf)  }
0x92: {  	s28 =	spop (v2sf)  }
0x93: {  	s25 =	ssub.f32 s28, s31;
	_ =	sdelay $0x1  }
0x94: {  	s29 =	simm.s32 $0x10;
	v2 =	vadd.f32 $1.000000010e-10, v2;
	v4 =	vmov s25  }
0x95: {  	v5 =	vld [tilespmem:s29+$0x5900];
	(erf) = vrcp.f32 v4  }
0x96: {  	(erf) = vrcp.f32 v2;
	_ =	sdelay $0x3  }
0x97: {  	s25 =	simm.s32 $0x20;
	v4 =	vld [tilespmem:s30+$0x5C80];
	v2 =	vadd.f32 $1.000000010e-10, v5  }
0x98: {  	v5 =	vld [tilespmem:s25+$0x5900]  }
0x99: {  	(erf) = vrcp.f32 v2;
	_ =	sdelay $0x1  }
0x9a: {  	v2 =	vpop (erf)  }
0x9b: {  	s26 =	simm.s32 $0x30;
	v7 =	vld [tilespmem:s30+$0x5A80];
	v6 =	vpop (erf)  }
0x9c: {  	v8 =	vld [tilespmem:s26+$0x5900];
	v3 =	vbroadcast v3, $0xF;
	v5 =	vadd.f32 $1.000000010e-10, v5;
	v4 =	vmul.f32 v6, v4  }
0x9d: {  	v6 =	vld [tilespmem:s29+$0x5C80]  }
0x9e: {  	(erf) = vrcp.f32 v5;
	v9 =	vsub.f32 v4, v3;
	_ =	sdelay $0x1  }
0x9f: {  	v9 =	vmul.f32 v9, v2  }
0xa0: {  	s28 =	simm.s32 $0x100;
	v5 =	vld [tilespmem:s29+$0x5A80];
	v10 =	vpop (erf);
	v4 =	vimm.f32 $0.0e+00  }
.LBB2_14:
0xa1: {  	s29 =	sshra.s32 s28, $0x2;
	p0 =	sne.s32 s28, $0x580;
	s28 =	sadd.s32 $0x40, s28;
	v11 =	vadd.f32 $1.000000010e-10, v8;
	v10 =	vmul.f32 v10, v6;
	v6 =	vld [tilespmem:s25+$0x5C80];
	v7 =	vmul.f32 v9, v7  }
.Ltmp6:
0xa2: {  	v8 =	vld [tilespmem:s29+$0x5900];
	(pc) =	sbr.rel @p0 .LBB2_14-.Ltmp6, $3  }
0xa3: {  	(erf) = vrcp.f32 v11;
	v9 =	vsub.f32 v10, v3;
	v4 =	vadd.f32 v7, v4;
	_ =	sdelay $0x1  }
0xa4: {  	v9 =	vmul.f32 v9, v2;
	v7 =	vmov v5  }
0xa5: {  	v5 =	vld [tilespmem:s25+$0x5A80];
	v10 =	vpop (erf);
	s25 =	smov.u32 s26;
	s26 =	smov.u32 s29  }
0xa6: {  	v8 =	vadd.f32 $1.000000010e-10, v8;
	_ =	sdelay $0x1  }
0xa7: {  	(erf) = vrcp.f32 v8;
	_ =	sdelay $0x2  }
0xa8: {  	v57 =	vld [tilespmem:s25+$0x5C80];
	_ =	sdelay $0x1  }
0xa9: {  	v11 =	vld [tilespmem:s26+$0x5C80]  }
0xaa: {  	v6 =	vmul.f32 v10, v6  }
0xab: {  	v58 =	vpop (erf)  }
0xac: {  	v6 =	vsub.f32 v6, v3;
	v8 =	vmul.f32 v58, v57  }
0xad: {  	v7 =	vmul.f32 v9, v7;
	v59 =	vld [tilespmem:s25+$0x5A80];
	v60 =	vpop (erf)  }
0xae: {  	v6 =	vmul.f32 v6, v2;
	v8 =	vsub.f32 v8, v3;
	v10 =	vmul.f32 v60, v11  }
0xaf: {  	v61 =	vld [tilespmem:s26+$0x5A80];
	v4 =	vadd.f32 v7, v4  }
0xb0: {  	v5 =	vmul.f32 v6, v5;
	v62 =	vmul.f32 v8, v2;
	v3 =	vsub.f32 v10, v3;
	_ =	sdelay $0x1  }
0xb1: {  	v4 =	vadd.f32 v5, v4;
	v63 =	vmul.f32 v62, v59;
	v2 =	vmul.f32 v3, v2;
	_ =	sdelay $0x1  }
0xb2: {  	v3 =	vadd.f32 v63, v4;
	v2 =	vmul.f32 v2, v61;
	_ =	sdelay $0x1  }
0xb3: {  	v2 =	vadd.f32 v2, v3;
	_ =	sdelay $0x1  }
0xb4: {  	(xrf2) =	vadd.scan.msk.f32 $0xffff, v2;
	_ =	sdelay $0x7  }
0xb5: {  	v2 =	vld [tilespmem:$0x5C00];
	_ =	sdelay $0x1  }
0xb6: {  	v3, _, _ =	vpop (xrf2)  }
0xb7: {  	v3 =	vbroadcast v3, $0xF;
	_ =	sdelay $0x1  }
0xb8: {  	v2 =	vadd.f32 v2, v3  }
0xb9: {  	s24 =	sadd.s32 $0x1, s24  }
0xba: {  	p0 =	sne.s32 s24, s13;
	v2 =	vnsel vm0, $0x0, v2  }
.Ltmp7:
0xbb: {  	[tilespmem:$0x5F80] =	vst v2;
	(pc) =	sbr.rel @p0 .LBB2_1-.Ltmp7, $4  }
0xbc: {  	[hbm4b:s12+s3] =	stream.linear.scatter [tilespmem:s23], [sflag:$0x1], $0x80, $0x38;
	[tilespmem:$0x7700] =	vst v63  }
0xbd: {  	_ =	swait.ge [sflag:s14], $0x80  }
0xbe: {  	[sflag:s14] =	ssyncset.done $0x0  }
0xbf: {  	[sflag:s14] =	ssyncadd.s32 $0xFFFFFF80  }
0xc0: {  	_ =	sfence.sel $0x180000  }
0xc1: {  	[bflag:$0x0] =	sbarrier.arrive $0xFFFF  }
0xc2: {  	p0 =	sne.s32 s1, $0x0;
	_ =	strace $0x90000047  }
0xc3: {  	s0 =	sadd.s32 @!p0 $0x100000, s0;
	[bflag:$0x2] =	sbarrier.arrive $0xFFFF  }
0xc4: {  	[sflag:s0] =	ssyncadd.tile.s32 @!p0 $0x1;
	_ =	shalt  }
.Lfunc_end2:
_tile_overlayer_lowered:
.L_overlay_start_2:
0xc5: {  	(tag) =	ssettag $0x2  }
0xc6: {  	s0 =	rddreg [dreg:$0x0];
	s2 =	stileid.u32  }
0xc7: {  	s1 =	rddreg [dreg:$0x1];
	p0 =	sne.s32 s2, $0x0  }
0xc8: {  	s3 =	rddreg [dreg:$0x2];
	[bflag:$0x3] =	sbarrier.arrive $0xFFFF;
	s2 =	simm.s32 @!p0 $0x1C01  }
0xc9: {  	[timem:s3], [sflag:s2] =	dma.local @!p0 [hbm:s0], s1  }
0xca: {  	s0 =	simm.s32 @!p0 $0x1  }
0xcb: {  	_ =	swait.ge @!p0 [sflag:s0], s1  }
0xcc: {  	s1 =	ssub.s32 @!p0 $0x0, s1;
	[sflag:s0] =	ssyncset.done @!p0 $0x0  }
0xcd: {  	[sflag:s0] =	ssyncadd.s32 @!p0 s1  }
0xce: {  	[bflag:$0x3] =	sbarrier.arrive $0xFFFF  }
0xcf: {  	_ =	shalt  }

</sc_bundles>
